<compile_context>
chip_gen: v7x
topology: tpu7x:2x2x1
jax: 0.10.2.dev20260603
libtpu: 0.0.44.dev20260713+nightly
codegen_flags: <defaults>
</compile_context>

<pallas_src>
import functools

import jax
import jax.numpy as jnp
from jax import lax
from jax.experimental import pallas as pl
from jax.experimental.pallas import tpu as pltpu
from jax.experimental.pallas import tpu_sc as plsc

_NC = 2
_NS = 16
_NW = _NC * _NS

_D = 64
_G = 16
_PF = 32
_PD = 128


@functools.cache
def _make_gather(batch, fields):
    bpw = batch // _NW
    ngrp = bpw // _G
    mesh = plsc.VectorSubcoreMesh(core_axis_name="c", subcore_axis_name="s")

    @functools.partial(
        pl.kernel,
        mesh=mesh,
        out_type=jax.ShapeDtypeStruct((batch, _PF, _PD), jnp.float32),
        scratch_types=[
            pltpu.VMEM((bpw * _PF,), jnp.int32),
            pltpu.VMEM((2, _G, fields, _D), jnp.float32),
            pltpu.SemaphoreType.DMA,
            pltpu.SemaphoreType.DMA,
        ],
        compiler_params=pltpu.CompilerParams(use_tc_tiling_on_sc=False),
    )
    def gather_kernel(idx_hbm, table_hbm, out_hbm, idx_v, rows_v, gsem, wsem):
        wid = lax.axis_index("s") * _NC + lax.axis_index("c")
        base = wid * bpw
        pltpu.sync_copy(idx_hbm.at[pl.ds(base * _PF, bpw * _PF)], idx_v)

        def fire_group_gathers(g, buf):
            for k in range(_G):
                pltpu.async_copy(
                    table_hbm.at[idx_v.at[pl.ds((g * _G + k) * _PF,
                                                fields)]],
                    rows_v.at[buf, k], gsem)

        def wait_group_gathers():
            for _ in range(_G):
                pltpu.make_async_copy(
                    table_hbm.at[idx_v.at[pl.ds(0, fields)]],
                    rows_v.at[0, 0], gsem).wait()

        def fire_write(g, buf):
            pltpu.async_copy(
                rows_v.at[buf],
                out_hbm.at[pl.ds(base + g * _G, _G), pl.ds(0, fields),
                           pl.ds(0, _D)], wsem)

        def wait_write():
            pltpu.make_async_copy(
                rows_v.at[0],
                out_hbm.at[pl.ds(0, _G), pl.ds(0, fields), pl.ds(0, _D)],
                wsem).wait()

        fire_group_gathers(0, 0)

        def body(g, carry):
            nxt = lax.rem(g + 1, 2)

            @pl.when(g + 1 < ngrp)
            def _prefetch():
                @pl.when(g >= 1)
                def _free_buf():
                    wait_write()

                fire_group_gathers(g + 1, nxt)

            wait_group_gathers()
            fire_write(g, lax.rem(g, 2))
            return carry

        lax.fori_loop(0, ngrp, body, 0)
        wait_write()
        wait_write()

    return gather_kernel


def kernel(weight, mask, input):
    b, f = input.shape
    idx = jnp.pad(input.astype(jnp.int32), ((0, 0), (0, _PF - f)))
    o = _make_gather(b, f)(idx.reshape(-1), weight)
    return o[:, :f, :_D]

# --- scband reference (transcript-rebuilt; emitter-appended) ---
"""Pipeline reference for scband-masking-embedding-70446053589575 (READ-ONLY COPY).

The authoritative reference and input builder live on the scoring server;
editing this copy changes nothing except your own understanding.
"""

import jax, jax.numpy as jnp
import numpy as np

VOCAB = 100000
EMBED_DIM = 64
BATCH = 4096
FIELDS = 26

def setup_inputs(seed: int = 0) -> dict:
    key = jax.random.key(seed)
    k1, k2 = jax.random.split(key, 2)
    input_idx = jax.random.randint(k1, (BATCH, FIELDS), 0, VOCAB, dtype=jnp.int64) if jax.config.jax_enable_x64 else jax.random.randint(k1, (BATCH, FIELDS), 0, VOCAB, dtype=jnp.int32)
    weight = jax.random.normal(k2, (VOCAB, EMBED_DIM), dtype=jnp.float32) * 0.02
    mask = jnp.ones((VOCAB, 1), dtype=jnp.float32)
    return {"weight": weight, "mask": mask, "input": input_idx}

def reference(weight, mask, input):
    # MaskingEmbedding.forward -> EmbeddingFunction.forward: dense_weight[input]
    # mask only affects the backward pass; forward is a plain gather.
    output = jnp.take(weight, input, axis=0)
    return output

if __name__ == "__main__":
    import jax
    _d = setup_inputs()
    print(jax.jit(kernel)(*tuple(_d.values())))

</pallas_src>

<mosaic_0001>
#map = affine_map<(d0, d1) -> (0)>
#map1 = affine_map<(d0, d1) -> (0, 0)>
#map2 = affine_map<(d0, d1) -> (0, 0, 0)>
module attributes {stable_mosaic.version = 14 : i64} {
  func.func @gather_kernel(%arg0: i32, %arg1: i32, %arg2: memref<131072xi32, #tpu.memory_space<hbm>>, %arg3: memref<100000x64xf32, #tpu.memory_space<hbm>>, %arg4: memref<4096x32x128xf32, #tpu.memory_space<hbm>>, %arg5: memref<4096xi32, #tpu.memory_space<vmem>>, %arg6: memref<2x16x26x64xf32, #tpu.memory_space<vmem>>, %arg7: memref<!tpu.dma_semaphore, #tpu.memory_space<semaphore_mem>>, %arg8: memref<!tpu.dma_semaphore, #tpu.memory_space<semaphore_mem>>) attributes {dimension_semantics = [#tpu.dimension_semantics<core_parallel>, #tpu.dimension_semantics<subcore_parallel>], iteration_bounds = array<i64: 2, 16>, scalar_prefetch = 0 : i64, scratch_operands = 4 : i64, tpu.core_type = #tpu.core_type<sc_vector_subcore>, window_params = [{transform_indices = #map}, {transform_indices = #map1}, {transform_indices = #map2}]} {
    %mul3A = arith.constant 2 : i32
    %mul3A_0 = arith.muli %arg1, %mul3A : i32
    %add3A = arith.addi %mul3A_0, %arg0 : i32
    %mul3A_1 = arith.constant 128 : i32
    %mul3A_2 = arith.muli %add3A, %mul3A_1 : i32
    %mul3A_3 = arith.constant 32 : i32
    %mul3A_4 = arith.muli %mul3A_2, %mul3A_3 : i32
    "tpu.region"() ({
      %run_scoped3A = tpu.sem_alloc : memref<!tpu.dma_semaphore, #tpu.memory_space<semaphore_mem>>
      %dma_start3A_222 = tpu.memref_slice %arg2[%mul3A_4] : memref<131072xi32, #tpu.memory_space<hbm>> -> memref<4096xi32, #tpu.memory_space<hbm>>
      %dma_start3A_223 = tpu.memref_slice %arg2[%mul3A_4] : memref<131072xi32, #tpu.memory_space<hbm>> -> memref<4096xi32, #tpu.memory_space<hbm>>
      tpu.enqueue_dma source(%dma_start3A_223 : memref<4096xi32, #tpu.memory_space<hbm>>) target(%arg5 : memref<4096xi32, #tpu.memory_space<vmem>>) target_semaphore(%run_scoped3A : memref<!tpu.dma_semaphore, #tpu.memory_space<semaphore_mem>>)
      %dma_wait3A_224 = tpu.memref_slice %arg2[%mul3A_4] : memref<131072xi32, #tpu.memory_space<hbm>> -> memref<4096xi32, #tpu.memory_space<hbm>>
      %dma_wait3A_225 = tpu.memref_slice %arg2[%mul3A_4] : memref<131072xi32, #tpu.memory_space<hbm>> -> memref<4096xi32, #tpu.memory_space<hbm>>
      tpu.wait_dma2 semaphore(%run_scoped3A : memref<!tpu.dma_semaphore, #tpu.memory_space<semaphore_mem>>) src(%dma_wait3A_225 : memref<4096xi32, #tpu.memory_space<hbm>>) dst(%arg5 : memref<4096xi32, #tpu.memory_space<vmem>>)
      tpu.yield
    }) : () -> ()
    %dma_start3A = arith.constant 0 : i32
    %dma_start3A_5 = arith.constant 0 : i32
    %dma_start3A_6 = arith.constant 0 : i32
    %dma_start3A_7 = arith.constant 0 : i32
    %dma_start3A_8 = tpu.memref_slice %arg6[%dma_start3A, %dma_start3A_5, %dma_start3A_6, %dma_start3A_7] : memref<2x16x26x64xf32, #tpu.memory_space<vmem>> -> memref<1x1x26x64xf32, #tpu.memory_space<vmem>>
    %dma_start3A_9 = tpu.memref_squeeze %dma_start3A_8 : memref<1x1x26x64xf32, #tpu.memory_space<vmem>> -> memref<26x64xf32, #tpu.memory_space<vmem>>
    %dma_start3A_10 = arith.constant 0 : i32
    %dma_start3A_11 = tpu.memref_slice %arg5[%dma_start3A_10] : memref<4096xi32, #tpu.memory_space<vmem>> -> memref<26xi32, #tpu.memory_space<vmem>>
    %dma_start3A_12 = arith.constant 0 : i32
    %dma_start3A_13 = arith.constant 0 : i32
    %dma_start3A_14 = tpu.memref_slice %arg3[%dma_start3A_12, %dma_start3A_13] : memref<100000x64xf32, #tpu.memory_space<hbm>> -> memref<100000x64xf32, #tpu.memory_space<hbm>>
    tpu.enqueue_indirect_dma source(%dma_start3A_14 : memref<100000x64xf32, #tpu.memory_space<hbm>>) target(%dma_start3A_9 : memref<26x64xf32, #tpu.memory_space<vmem>>) offsets(%dma_start3A_11 : memref<26xi32, #tpu.memory_space<vmem>>) semaphore(%arg7 : memref<!tpu.dma_semaphore, #tpu.memory_space<semaphore_mem>>)
    %dma_start3A_15 = arith.constant 0 : i32
    %dma_start3A_16 = arith.constant 1 : i32
    %dma_start3A_17 = arith.constant 0 : i32
    %dma_start3A_18 = arith.constant 0 : i32
    %dma_start3A_19 = tpu.memref_slice %arg6[%dma_start3A_15, %dma_start3A_16, %dma_start3A_17, %dma_start3A_18] : memref<2x16x26x64xf32, #tpu.memory_space<vmem>> -> memref<1x1x26x64xf32, #tpu.memory_space<vmem>>
    %dma_start3A_20 = tpu.memref_squeeze %dma_start3A_19 : memref<1x1x26x64xf32, #tpu.memory_space<vmem>> -> memref<26x64xf32, #tpu.memory_space<vmem>>
    %dma_start3A_21 = arith.constant 32 : i32
    %dma_start3A_22 = tpu.memref_slice %arg5[%dma_start3A_21] : memref<4096xi32, #tpu.memory_space<vmem>> -> memref<26xi32, #tpu.memory_space<vmem>>
    %dma_start3A_23 = arith.constant 0 : i32
    %dma_start3A_24 = arith.constant 0 : i32
    %dma_start3A_25 = tpu.memref_slice %arg3[%dma_start3A_23, %dma_start3A_24] : memref<100000x64xf32, #tpu.memory_space<hbm>> -> memref<100000x64xf32, #tpu.memory_space<hbm>>
    tpu.enqueue_indirect_dma source(%dma_start3A_25 : memref<100000x64xf32, #tpu.memory_space<hbm>>) target(%dma_start3A_20 : memref<26x64xf32, #tpu.memory_space<vmem>>) offsets(%dma_start3A_22 : memref<26xi32, #tpu.memory_space<vmem>>) semaphore(%arg7 : memref<!tpu.dma_semaphore, #tpu.memory_space<semaphore_mem>>)
    %dma_start3A_26 = arith.constant 0 : i32
    %dma_start3A_27 = arith.constant 2 : i32
    %dma_start3A_28 = arith.constant 0 : i32
    %dma_start3A_29 = arith.constant 0 : i32
    %dma_start3A_30 = tpu.memref_slice %arg6[%dma_start3A_26, %dma_start3A_27, %dma_start3A_28, %dma_start3A_29] : memref<2x16x26x64xf32, #tpu.memory_space<vmem>> -> memref<1x1x26x64xf32, #tpu.memory_space<vmem>>
    %dma_start3A_31 = tpu.memref_squeeze %dma_start3A_30 : memref<1x1x26x64xf32, #tpu.memory_space<vmem>> -> memref<26x64xf32, #tpu.memory_space<vmem>>
    %dma_start3A_32 = arith.constant 64 : i32
    %dma_start3A_33 = tpu.memref_slice %arg5[%dma_start3A_32] : memref<4096xi32, #tpu.memory_space<vmem>> -> memref<26xi32, #tpu.memory_space<vmem>>
    %dma_start3A_34 = arith.constant 0 : i32
    %dma_start3A_35 = arith.constant 0 : i32
    %dma_start3A_36 = tpu.memref_slice %arg3[%dma_start3A_34, %dma_start3A_35] : memref<100000x64xf32, #tpu.memory_space<hbm>> -> memref<100000x64xf32, #tpu.memory_space<hbm>>
    tpu.enqueue_indirect_dma source(%dma_start3A_36 : memref<100000x64xf32, #tpu.memory_space<hbm>>) target(%dma_start3A_31 : memref<26x64xf32, #tpu.memory_space<vmem>>) offsets(%dma_start3A_33 : memref<26xi32, #tpu.memory_space<vmem>>) semaphore(%arg7 : memref<!tpu.dma_semaphore, #tpu.memory_space<semaphore_mem>>)
    %dma_start3A_37 = arith.constant 0 : i32
    %dma_start3A_38 = arith.constant 3 : i32
    %dma_start3A_39 = arith.constant 0 : i32
    %dma_start3A_40 = arith.constant 0 : i32
    %dma_start3A_41 = tpu.memref_slice %arg6[%dma_start3A_37, %dma_start3A_38, %dma_start3A_39, %dma_start3A_40] : memref<2x16x26x64xf32, #tpu.memory_space<vmem>> -> memref<1x1x26x64xf32, #tpu.memory_space<vmem>>
    %dma_start3A_42 = tpu.memref_squeeze %dma_start3A_41 : memref<1x1x26x64xf32, #tpu.memory_space<vmem>> -> memref<26x64xf32, #tpu.memory_space<vmem>>
    %dma_start3A_43 = arith.constant 96 : i32
    %dma_start3A_44 = tpu.memref_slice %arg5[%dma_start3A_43] : memref<4096xi32, #tpu.memory_space<vmem>> -> memref<26xi32, #tpu.memory_space<vmem>>
    %dma_start3A_45 = arith.constant 0 : i32
    %dma_start3A_46 = arith.constant 0 : i32
    %dma_start3A_47 = tpu.memref_slice %arg3[%dma_start3A_45, %dma_start3A_46] : memref<100000x64xf32, #tpu.memory_space<hbm>> -> memref<100000x64xf32, #tpu.memory_space<hbm>>
    tpu.enqueue_indirect_dma source(%dma_start3A_47 : memref<100000x64xf32, #tpu.memory_space<hbm>>) target(%dma_start3A_42 : memref<26x64xf32, #tpu.memory_space<vmem>>) offsets(%dma_start3A_44 : memref<26xi32, #tpu.memory_space<vmem>>) semaphore(%arg7 : memref<!tpu.dma_semaphore, #tpu.memory_space<semaphore_mem>>)
    %dma_start3A_48 = arith.constant 0 : i32
    %dma_start3A_49 = arith.constant 4 : i32
    %dma_start3A_50 = arith.constant 0 : i32
    %dma_start3A_51 = arith.constant 0 : i32
    %dma_start3A_52 = tpu.memref_slice %arg6[%dma_start3A_48, %dma_start3A_49, %dma_start3A_50, %dma_start3A_51] : memref<2x16x26x64xf32, #tpu.memory_space<vmem>> -> memref<1x1x26x64xf32, #tpu.memory_space<vmem>>
    %dma_start3A_53 = tpu.memref_squeeze %dma_start3A_52 : memref<1x1x26x64xf32, #tpu.memory_space<vmem>> -> memref<26x64xf32, #tpu.memory_space<vmem>>
    %dma_start3A_54 = arith.constant 128 : i32
    %dma_start3A_55 = tpu.memref_slice %arg5[%dma_start3A_54] : memref<4096xi32, #tpu.memory_space<vmem>> -> memref<26xi32, #tpu.memory_space<vmem>>
    %dma_start3A_56 = arith.constant 0 : i32
    %dma_start3A_57 = arith.constant 0 : i32
    %dma_start3A_58 = tpu.memref_slice %arg3[%dma_start3A_56, %dma_start3A_57] : memref<100000x64xf32, #tpu.memory_space<hbm>> -> memref<100000x64xf32, #tpu.memory_space<hbm>>
    tpu.enqueue_indirect_dma source(%dma_start3A_58 : memref<100000x64xf32, #tpu.memory_space<hbm>>) target(%dma_start3A_53 : memref<26x64xf32, #tpu.memory_space<vmem>>) offsets(%dma_start3A_55 : memref<26xi32, #tpu.memory_space<vmem>>) semaphore(%arg7 : memref<!tpu.dma_semaphore, #tpu.memory_space<semaphore_mem>>)
    %dma_start3A_59 = arith.constant 0 : i32
    %dma_start3A_60 = arith.constant 5 : i32
    %dma_start3A_61 = arith.constant 0 : i32
    %dma_start3A_62 = arith.constant 0 : i32
    %dma_start3A_63 = tpu.memref_slice %arg6[%dma_start3A_59, %dma_start3A_60, %dma_start3A_61, %dma_start3A_62] : memref<2x16x26x64xf32, #tpu.memory_space<vmem>> -> memref<1x1x26x64xf32, #tpu.memory_space<vmem>>
    %dma_start3A_64 = tpu.memref_squeeze %dma_start3A_63 : memref<1x1x26x64xf32, #tpu.memory_space<vmem>> -> memref<26x64xf32, #tpu.memory_space<vmem>>
    %dma_start3A_65 = arith.constant 160 : i32
    %dma_start3A_66 = tpu.memref_slice %arg5[%dma_start3A_65] : memref<4096xi32, #tpu.memory_space<vmem>> -> memref<26xi32, #tpu.memory_space<vmem>>
    %dma_start3A_67 = arith.constant 0 : i32
    %dma_start3A_68 = arith.constant 0 : i32
    %dma_start3A_69 = tpu.memref_slice %arg3[%dma_start3A_67, %dma_start3A_68] : memref<100000x64xf32, #tpu.memory_space<hbm>> -> memref<100000x64xf32, #tpu.memory_space<hbm>>
    tpu.enqueue_indirect_dma source(%dma_start3A_69 : memref<100000x64xf32, #tpu.memory_space<hbm>>) target(%dma_start3A_64 : memref<26x64xf32, #tpu.memory_space<vmem>>) offsets(%dma_start3A_66 : memref<26xi32, #tpu.memory_space<vmem>>) semaphore(%arg7 : memref<!tpu.dma_semaphore, #tpu.memory_space<semaphore_mem>>)
    %dma_start3A_70 = arith.constant 0 : i32
    %dma_start3A_71 = arith.constant 6 : i32
    %dma_start3A_72 = arith.constant 0 : i32
    %dma_start3A_73 = arith.constant 0 : i32
    %dma_start3A_74 = tpu.memref_slice %arg6[%dma_start3A_70, %dma_start3A_71, %dma_start3A_72, %dma_start3A_73] : memref<2x16x26x64xf32, #tpu.memory_space<vmem>> -> memref<1x1x26x64xf32, #tpu.memory_space<vmem>>
    %dma_start3A_75 = tpu.memref_squeeze %dma_start3A_74 : memref<1x1x26x64xf32, #tpu.memory_space<vmem>> -> memref<26x64xf32, #tpu.memory_space<vmem>>
    %dma_start3A_76 = arith.constant 192 : i32
    %dma_start3A_77 = tpu.memref_slice %arg5[%dma_start3A_76] : memref<4096xi32, #tpu.memory_space<vmem>> -> memref<26xi32, #tpu.memory_space<vmem>>
    %dma_start3A_78 = arith.constant 0 : i32
    %dma_start3A_79 = arith.constant 0 : i32
    %dma_start3A_80 = tpu.memref_slice %arg3[%dma_start3A_78, %dma_start3A_79] : memref<100000x64xf32, #tpu.memory_space<hbm>> -> memref<100000x64xf32, #tpu.memory_space<hbm>>
    tpu.enqueue_indirect_dma source(%dma_start3A_80 : memref<100000x64xf32, #tpu.memory_space<hbm>>) target(%dma_start3A_75 : memref<26x64xf32, #tpu.memory_space<vmem>>) offsets(%dma_start3A_77 : memref<26xi32, #tpu.memory_space<vmem>>) semaphore(%arg7 : memref<!tpu.dma_semaphore, #tpu.memory_space<semaphore_mem>>)
    %dma_start3A_81 = arith.constant 0 : i32
    %dma_start3A_82 = arith.constant 7 : i32
    %dma_start3A_83 = arith.constant 0 : i32
    %dma_start3A_84 = arith.constant 0 : i32
    %dma_start3A_85 = tpu.memref_slice %arg6[%dma_start3A_81, %dma_start3A_82, %dma_start3A_83, %dma_start3A_84] : memref<2x16x26x64xf32, #tpu.memory_space<vmem>> -> memref<1x1x26x64xf32, #tpu.memory_space<vmem>>
    %dma_start3A_86 = tpu.memref_squeeze %dma_start3A_85 : memref<1x1x26x64xf32, #tpu.memory_space<vmem>> -> memref<26x64xf32, #tpu.memory_space<vmem>>
    %dma_start3A_87 = arith.constant 224 : i32
    %dma_start3A_88 = tpu.memref_slice %arg5[%dma_start3A_87] : memref<4096xi32, #tpu.memory_space<vmem>> -> memref<26xi32, #tpu.memory_space<vmem>>
    %dma_start3A_89 = arith.constant 0 : i32
    %dma_start3A_90 = arith.constant 0 : i32
    %dma_start3A_91 = tpu.memref_slice %arg3[%dma_start3A_89, %dma_start3A_90] : memref<100000x64xf32, #tpu.memory_space<hbm>> -> memref<100000x64xf32, #tpu.memory_space<hbm>>
    tpu.enqueue_indirect_dma source(%dma_start3A_91 : memref<100000x64xf32, #tpu.memory_space<hbm>>) target(%dma_start3A_86 : memref<26x64xf32, #tpu.memory_space<vmem>>) offsets(%dma_start3A_88 : memref<26xi32, #tpu.memory_space<vmem>>) semaphore(%arg7 : memref<!tpu.dma_semaphore, #tpu.memory_space<semaphore_mem>>)
    %dma_start3A_92 = arith.constant 0 : i32
    %dma_start3A_93 = arith.constant 8 : i32
    %dma_start3A_94 = arith.constant 0 : i32
    %dma_start3A_95 = arith.constant 0 : i32
    %dma_start3A_96 = tpu.memref_slice %arg6[%dma_start3A_92, %dma_start3A_93, %dma_start3A_94, %dma_start3A_95] : memref<2x16x26x64xf32, #tpu.memory_space<vmem>> -> memref<1x1x26x64xf32, #tpu.memory_space<vmem>>
    %dma_start3A_97 = tpu.memref_squeeze %dma_start3A_96 : memref<1x1x26x64xf32, #tpu.memory_space<vmem>> -> memref<26x64xf32, #tpu.memory_space<vmem>>
    %dma_start3A_98 = arith.constant 256 : i32
    %dma_start3A_99 = tpu.memref_slice %arg5[%dma_start3A_98] : memref<4096xi32, #tpu.memory_space<vmem>> -> memref<26xi32, #tpu.memory_space<vmem>>
    %dma_start3A_100 = arith.constant 0 : i32
    %dma_start3A_101 = arith.constant 0 : i32
    %dma_start3A_102 = tpu.memref_slice %arg3[%dma_start3A_100, %dma_start3A_101] : memref<100000x64xf32, #tpu.memory_space<hbm>> -> memref<100000x64xf32, #tpu.memory_space<hbm>>
    tpu.enqueue_indirect_dma source(%dma_start3A_102 : memref<100000x64xf32, #tpu.memory_space<hbm>>) target(%dma_start3A_97 : memref<26x64xf32, #tpu.memory_space<vmem>>) offsets(%dma_start3A_99 : memref<26xi32, #tpu.memory_space<vmem>>) semaphore(%arg7 : memref<!tpu.dma_semaphore, #tpu.memory_space<semaphore_mem>>)
    %dma_start3A_103 = arith.constant 0 : i32
    %dma_start3A_104 = arith.constant 9 : i32
    %dma_start3A_105 = arith.constant 0 : i32
    %dma_start3A_106 = arith.constant 0 : i32
    %dma_start3A_107 = tpu.memref_slice %arg6[%dma_start3A_103, %dma_start3A_104, %dma_start3A_105, %dma_start3A_106] : memref<2x16x26x64xf32, #tpu.memory_space<vmem>> -> memref<1x1x26x64xf32, #tpu.memory_space<vmem>>
    %dma_start3A_108 = tpu.memref_squeeze %dma_start3A_107 : memref<1x1x26x64xf32, #tpu.memory_space<vmem>> -> memref<26x64xf32, #tpu.memory_space<vmem>>
    %dma_start3A_109 = arith.constant 288 : i32
    %dma_start3A_110 = tpu.memref_slice %arg5[%dma_start3A_109] : memref<4096xi32, #tpu.memory_space<vmem>> -> memref<26xi32, #tpu.memory_space<vmem>>
    %dma_start3A_111 = arith.constant 0 : i32
    %dma_start3A_112 = arith.constant 0 : i32
    %dma_start3A_113 = tpu.memref_slice %arg3[%dma_start3A_111, %dma_start3A_112] : memref<100000x64xf32, #tpu.memory_space<hbm>> -> memref<100000x64xf32, #tpu.memory_space<hbm>>
    tpu.enqueue_indirect_dma source(%dma_start3A_113 : memref<100000x64xf32, #tpu.memory_space<hbm>>) target(%dma_start3A_108 : memref<26x64xf32, #tpu.memory_space<vmem>>) offsets(%dma_start3A_110 : memref<26xi32, #tpu.memory_space<vmem>>) semaphore(%arg7 : memref<!tpu.dma_semaphore, #tpu.memory_space<semaphore_mem>>)
    %dma_start3A_114 = arith.constant 0 : i32
    %dma_start3A_115 = arith.constant 10 : i32
    %dma_start3A_116 = arith.constant 0 : i32
    %dma_start3A_117 = arith.constant 0 : i32
    %dma_start3A_118 = tpu.memref_slice %arg6[%dma_start3A_114, %dma_start3A_115, %dma_start3A_116, %dma_start3A_117] : memref<2x16x26x64xf32, #tpu.memory_space<vmem>> -> memref<1x1x26x64xf32, #tpu.memory_space<vmem>>
    %dma_start3A_119 = tpu.memref_squeeze %dma_start3A_118 : memref<1x1x26x64xf32, #tpu.memory_space<vmem>> -> memref<26x64xf32, #tpu.memory_space<vmem>>
    %dma_start3A_120 = arith.constant 320 : i32
    %dma_start3A_121 = tpu.memref_slice %arg5[%dma_start3A_120] : memref<4096xi32, #tpu.memory_space<vmem>> -> memref<26xi32, #tpu.memory_space<vmem>>
    %dma_start3A_122 = arith.constant 0 : i32
    %dma_start3A_123 = arith.constant 0 : i32
    %dma_start3A_124 = tpu.memref_slice %arg3[%dma_start3A_122, %dma_start3A_123] : memref<100000x64xf32, #tpu.memory_space<hbm>> -> memref<100000x64xf32, #tpu.memory_space<hbm>>
    tpu.enqueue_indirect_dma source(%dma_start3A_124 : memref<100000x64xf32, #tpu.memory_space<hbm>>) target(%dma_start3A_119 : memref<26x64xf32, #tpu.memory_space<vmem>>) offsets(%dma_start3A_121 : memref<26xi32, #tpu.memory_space<vmem>>) semaphore(%arg7 : memref<!tpu.dma_semaphore, #tpu.memory_space<semaphore_mem>>)
    %dma_start3A_125 = arith.constant 0 : i32
    %dma_start3A_126 = arith.constant 11 : i32
    %dma_start3A_127 = arith.constant 0 : i32
    %dma_start3A_128 = arith.constant 0 : i32
    %dma_start3A_129 = tpu.memref_slice %arg6[%dma_start3A_125, %dma_start3A_126, %dma_start3A_127, %dma_start3A_128] : memref<2x16x26x64xf32, #tpu.memory_space<vmem>> -> memref<1x1x26x64xf32, #tpu.memory_space<vmem>>
    %dma_start3A_130 = tpu.memref_squeeze %dma_start3A_129 : memref<1x1x26x64xf32, #tpu.memory_space<vmem>> -> memref<26x64xf32, #tpu.memory_space<vmem>>
    %dma_start3A_131 = arith.constant 352 : i32
    %dma_start3A_132 = tpu.memref_slice %arg5[%dma_start3A_131] : memref<4096xi32, #tpu.memory_space<vmem>> -> memref<26xi32, #tpu.memory_space<vmem>>
    %dma_start3A_133 = arith.constant 0 : i32
    %dma_start3A_134 = arith.constant 0 : i32
    %dma_start3A_135 = tpu.memref_slice %arg3[%dma_start3A_133, %dma_start3A_134] : memref<100000x64xf32, #tpu.memory_space<hbm>> -> memref<100000x64xf32, #tpu.memory_space<hbm>>
    tpu.enqueue_indirect_dma source(%dma_start3A_135 : memref<100000x64xf32, #tpu.memory_space<hbm>>) target(%dma_start3A_130 : memref<26x64xf32, #tpu.memory_space<vmem>>) offsets(%dma_start3A_132 : memref<26xi32, #tpu.memory_space<vmem>>) semaphore(%arg7 : memref<!tpu.dma_semaphore, #tpu.memory_space<semaphore_mem>>)
    %dma_start3A_136 = arith.constant 0 : i32
    %dma_start3A_137 = arith.constant 12 : i32
    %dma_start3A_138 = arith.constant 0 : i32
    %dma_start3A_139 = arith.constant 0 : i32
    %dma_start3A_140 = tpu.memref_slice %arg6[%dma_start3A_136, %dma_start3A_137, %dma_start3A_138, %dma_start3A_139] : memref<2x16x26x64xf32, #tpu.memory_space<vmem>> -> memref<1x1x26x64xf32, #tpu.memory_space<vmem>>
    %dma_start3A_141 = tpu.memref_squeeze %dma_start3A_140 : memref<1x1x26x64xf32, #tpu.memory_space<vmem>> -> memref<26x64xf32, #tpu.memory_space<vmem>>
    %dma_start3A_142 = arith.constant 384 : i32
    %dma_start3A_143 = tpu.memref_slice %arg5[%dma_start3A_142] : memref<4096xi32, #tpu.memory_space<vmem>> -> memref<26xi32, #tpu.memory_space<vmem>>
    %dma_start3A_144 = arith.constant 0 : i32
    %dma_start3A_145 = arith.constant 0 : i32
    %dma_start3A_146 = tpu.memref_slice %arg3[%dma_start3A_144, %dma_start3A_145] : memref<100000x64xf32, #tpu.memory_space<hbm>> -> memref<100000x64xf32, #tpu.memory_space<hbm>>
    tpu.enqueue_indirect_dma source(%dma_start3A_146 : memref<100000x64xf32, #tpu.memory_space<hbm>>) target(%dma_start3A_141 : memref<26x64xf32, #tpu.memory_space<vmem>>) offsets(%dma_start3A_143 : memref<26xi32, #tpu.memory_space<vmem>>) semaphore(%arg7 : memref<!tpu.dma_semaphore, #tpu.memory_space<semaphore_mem>>)
    %dma_start3A_147 = arith.constant 0 : i32
    %dma_start3A_148 = arith.constant 13 : i32
    %dma_start3A_149 = arith.constant 0 : i32
    %dma_start3A_150 = arith.constant 0 : i32
    %dma_start3A_151 = tpu.memref_slice %arg6[%dma_start3A_147, %dma_start3A_148, %dma_start3A_149, %dma_start3A_150] : memref<2x16x26x64xf32, #tpu.memory_space<vmem>> -> memref<1x1x26x64xf32, #tpu.memory_space<vmem>>
    %dma_start3A_152 = tpu.memref_squeeze %dma_start3A_151 : memref<1x1x26x64xf32, #tpu.memory_space<vmem>> -> memref<26x64xf32, #tpu.memory_space<vmem>>
    %dma_start3A_153 = arith.constant 416 : i32
    %dma_start3A_154 = tpu.memref_slice %arg5[%dma_start3A_153] : memref<4096xi32, #tpu.memory_space<vmem>> -> memref<26xi32, #tpu.memory_space<vmem>>
    %dma_start3A_155 = arith.constant 0 : i32
    %dma_start3A_156 = arith.constant 0 : i32
    %dma_start3A_157 = tpu.memref_slice %arg3[%dma_start3A_155, %dma_start3A_156] : memref<100000x64xf32, #tpu.memory_space<hbm>> -> memref<100000x64xf32, #tpu.memory_space<hbm>>
    tpu.enqueue_indirect_dma source(%dma_start3A_157 : memref<100000x64xf32, #tpu.memory_space<hbm>>) target(%dma_start3A_152 : memref<26x64xf32, #tpu.memory_space<vmem>>) offsets(%dma_start3A_154 : memref<26xi32, #tpu.memory_space<vmem>>) semaphore(%arg7 : memref<!tpu.dma_semaphore, #tpu.memory_space<semaphore_mem>>)
    %dma_start3A_158 = arith.constant 0 : i32
    %dma_start3A_159 = arith.constant 14 : i32
    %dma_start3A_160 = arith.constant 0 : i32
    %dma_start3A_161 = arith.constant 0 : i32
    %dma_start3A_162 = tpu.memref_slice %arg6[%dma_start3A_158, %dma_start3A_159, %dma_start3A_160, %dma_start3A_161] : memref<2x16x26x64xf32, #tpu.memory_space<vmem>> -> memref<1x1x26x64xf32, #tpu.memory_space<vmem>>
    %dma_start3A_163 = tpu.memref_squeeze %dma_start3A_162 : memref<1x1x26x64xf32, #tpu.memory_space<vmem>> -> memref<26x64xf32, #tpu.memory_space<vmem>>
    %dma_start3A_164 = arith.constant 448 : i32
    %dma_start3A_165 = tpu.memref_slice %arg5[%dma_start3A_164] : memref<4096xi32, #tpu.memory_space<vmem>> -> memref<26xi32, #tpu.memory_space<vmem>>
    %dma_start3A_166 = arith.constant 0 : i32
    %dma_start3A_167 = arith.constant 0 : i32
    %dma_start3A_168 = tpu.memref_slice %arg3[%dma_start3A_166, %dma_start3A_167] : memref<100000x64xf32, #tpu.memory_space<hbm>> -> memref<100000x64xf32, #tpu.memory_space<hbm>>
    tpu.enqueue_indirect_dma source(%dma_start3A_168 : memref<100000x64xf32, #tpu.memory_space<hbm>>) target(%dma_start3A_163 : memref<26x64xf32, #tpu.memory_space<vmem>>) offsets(%dma_start3A_165 : memref<26xi32, #tpu.memory_space<vmem>>) semaphore(%arg7 : memref<!tpu.dma_semaphore, #tpu.memory_space<semaphore_mem>>)
    %dma_start3A_169 = arith.constant 0 : i32
    %dma_start3A_170 = arith.constant 15 : i32
    %dma_start3A_171 = arith.constant 0 : i32
    %dma_start3A_172 = arith.constant 0 : i32
    %dma_start3A_173 = tpu.memref_slice %arg6[%dma_start3A_169, %dma_start3A_170, %dma_start3A_171, %dma_start3A_172] : memref<2x16x26x64xf32, #tpu.memory_space<vmem>> -> memref<1x1x26x64xf32, #tpu.memory_space<vmem>>
    %dma_start3A_174 = tpu.memref_squeeze %dma_start3A_173 : memref<1x1x26x64xf32, #tpu.memory_space<vmem>> -> memref<26x64xf32, #tpu.memory_space<vmem>>
    %dma_start3A_175 = arith.constant 480 : i32
    %dma_start3A_176 = tpu.memref_slice %arg5[%dma_start3A_175] : memref<4096xi32, #tpu.memory_space<vmem>> -> memref<26xi32, #tpu.memory_space<vmem>>
    %dma_start3A_177 = arith.constant 0 : i32
    %dma_start3A_178 = arith.constant 0 : i32
    %dma_start3A_179 = tpu.memref_slice %arg3[%dma_start3A_177, %dma_start3A_178] : memref<100000x64xf32, #tpu.memory_space<hbm>> -> memref<100000x64xf32, #tpu.memory_space<hbm>>
    tpu.enqueue_indirect_dma source(%dma_start3A_179 : memref<100000x64xf32, #tpu.memory_space<hbm>>) target(%dma_start3A_174 : memref<26x64xf32, #tpu.memory_space<vmem>>) offsets(%dma_start3A_176 : memref<26xi32, #tpu.memory_space<vmem>>) semaphore(%arg7 : memref<!tpu.dma_semaphore, #tpu.memory_space<semaphore_mem>>)
    %scan3A = arith.constant 0 : i32
    %scan3A_180 = arith.constant 0 : i32
    %scan3A_181 = arith.constant 8 : i32
    %scan3A_182 = arith.addi %scan3A_180, %scan3A_181 : i32
    %scan3A_183 = arith.constant 1 : i32
    scf.for %scan3A_222 = %scan3A_180 to %scan3A_182 step %scan3A_183  : i32 {
      %add3A_223 = arith.constant 1 : i32
      %add3A_224 = arith.addi %scan3A_222, %add3A_223 : i32
      %rem3A = arith.constant 2 : i32
      %rem3A_225 = arith.remsi %add3A_224, %rem3A : i32
      %add3A_226 = arith.constant 1 : i32
      %add3A_227 = arith.addi %scan3A_222, %add3A_226 : i32
      %lt3A = arith.constant 8 : i32
      %lt3A_228 = arith.cmpi slt, %add3A_227, %lt3A : i32
      %convert_element_type3A = arith.extui %lt3A_228 : i1 to i32
      %cond3A = arith.constant 0 : i32
      %cond3A_229 = arith.cmpi ne, %convert_element_type3A, %cond3A : i32
      scf.if %cond3A_229 {
        %ge3A = arith.constant 1 : i32
        %ge3A_427 = arith.cmpi sge, %scan3A_222, %ge3A : i32
        %convert_element_type3A_428 = arith.extui %ge3A_427 : i1 to i32
        %cond3A_429 = arith.constant 0 : i32
        %cond3A_430 = arith.cmpi ne, %convert_element_type3A_428, %cond3A_429 : i32
        scf.if %cond3A_430 {
          %dma_wait3A_673 = arith.constant 0 : i32
          %dma_wait3A_674 = arith.constant 0 : i32
          %dma_wait3A_675 = arith.constant 0 : i32
          %dma_wait3A_676 = arith.constant 0 : i32
          %dma_wait3A_677 = tpu.memref_slice %arg6[%dma_wait3A_673, %dma_wait3A_674, %dma_wait3A_675, %dma_wait3A_676] : memref<2x16x26x64xf32, #tpu.memory_space<vmem>> -> memref<1x16x26x64xf32, #tpu.memory_space<vmem>>
          %dma_wait3A_678 = tpu.memref_squeeze %dma_wait3A_677 : memref<1x16x26x64xf32, #tpu.memory_space<vmem>> -> memref<16x26x64xf32, #tpu.memory_space<vmem>>
          %dma_wait3A_679 = arith.constant 0 : i32
          %dma_wait3A_680 = arith.constant 0 : i32
          %dma_wait3A_681 = arith.constant 0 : i32
          %dma_wait3A_682 = tpu.memref_slice %arg4[%dma_wait3A_679, %dma_wait3A_680, %dma_wait3A_681] : memref<4096x32x128xf32, #tpu.memory_space<hbm>> -> memref<16x26x64xf32, #tpu.memory_space<hbm>>
          %dma_wait3A_683 = arith.constant 0 : i32
          %dma_wait3A_684 = arith.constant 0 : i32
          %dma_wait3A_685 = arith.constant 0 : i32
          %dma_wait3A_686 = tpu.memref_slice %arg4[%dma_wait3A_683, %dma_wait3A_684, %dma_wait3A_685] : memref<4096x32x128xf32, #tpu.memory_space<hbm>> -> memref<16x26x64xf32, #tpu.memory_space<hbm>>
          %dma_wait3A_687 = arith.constant 0 : i32
          %dma_wait3A_688 = arith.constant 0 : i32
          %dma_wait3A_689 = arith.constant 0 : i32
          %dma_wait3A_690 = tpu.memref_slice %arg6[%dma_wait3A_673, %dma_wait3A_687, %dma_wait3A_688, %dma_wait3A_689] : memref<2x16x26x64xf32, #tpu.memory_space<vmem>> -> memref<1x16x26x64xf32, #tpu.memory_space<vmem>>
          %dma_wait3A_691 = tpu.memref_squeeze %dma_wait3A_690 : memref<1x16x26x64xf32, #tpu.memory_space<vmem>> -> memref<16x26x64xf32, #tpu.memory_space<vmem>>
          tpu.wait_dma2 semaphore(%arg8 : memref<!tpu.dma_semaphore, #tpu.memory_space<semaphore_mem>>) src(%dma_wait3A_691 : memref<16x26x64xf32, #tpu.memory_space<vmem>>) dst(%dma_wait3A_686 : memref<16x26x64xf32, #tpu.memory_space<hbm>>)
        } else {
        }
        %add3A_431 = arith.constant 1 : i32
        %add3A_432 = arith.addi %scan3A_222, %add3A_431 : i32
        %mul3A_433 = arith.constant 16 : i32
        %mul3A_434 = arith.muli %add3A_432, %mul3A_433 : i32
        %add3A_435 = arith.constant 0 : i32
        %add3A_436 = arith.addi %mul3A_434, %add3A_435 : i32
        %mul3A_437 = arith.constant 32 : i32
        %mul3A_438 = arith.muli %add3A_436, %mul3A_437 : i32
        %dma_start3A_439 = arith.constant 0 : i32
        %dma_start3A_440 = arith.constant 0 : i32
        %dma_start3A_441 = arith.constant 0 : i32
        %dma_start3A_442 = tpu.memref_slice %arg6[%rem3A_225, %dma_start3A_439, %dma_start3A_440, %dma_start3A_441] : memref<2x16x26x64xf32, #tpu.memory_space<vmem>> -> memref<1x1x26x64xf32, #tpu.memory_space<vmem>>
        %dma_start3A_443 = tpu.memref_squeeze %dma_start3A_442 : memref<1x1x26x64xf32, #tpu.memory_space<vmem>> -> memref<26x64xf32, #tpu.memory_space<vmem>>
        %dma_start3A_444 = tpu.memref_slice %arg5[%mul3A_438] : memref<4096xi32, #tpu.memory_space<vmem>> -> memref<26xi32, #tpu.memory_space<vmem>>
        %dma_start3A_445 = arith.constant 0 : i32
        %dma_start3A_446 = arith.constant 0 : i32
        %dma_start3A_447 = tpu.memref_slice %arg3[%dma_start3A_445, %dma_start3A_446] : memref<100000x64xf32, #tpu.memory_space<hbm>> -> memref<100000x64xf32, #tpu.memory_space<hbm>>
        tpu.enqueue_indirect_dma source(%dma_start3A_447 : memref<100000x64xf32, #tpu.memory_space<hbm>>) target(%dma_start3A_443 : memref<26x64xf32, #tpu.memory_space<vmem>>) offsets(%dma_start3A_444 : memref<26xi32, #tpu.memory_space<vmem>>) semaphore(%arg7 : memref<!tpu.dma_semaphore, #tpu.memory_space<semaphore_mem>>)
        %mul3A_448 = arith.constant 16 : i32
        %mul3A_449 = arith.muli %add3A_432, %mul3A_448 : i32
        %add3A_450 = arith.constant 1 : i32
        %add3A_451 = arith.addi %mul3A_449, %add3A_450 : i32
        %mul3A_452 = arith.constant 32 : i32
        %mul3A_453 = arith.muli %add3A_451, %mul3A_452 : i32
        %dma_start3A_454 = arith.constant 1 : i32
        %dma_start3A_455 = arith.constant 0 : i32
        %dma_start3A_456 = arith.constant 0 : i32
        %dma_start3A_457 = tpu.memref_slice %arg6[%rem3A_225, %dma_start3A_454, %dma_start3A_455, %dma_start3A_456] : memref<2x16x26x64xf32, #tpu.memory_space<vmem>> -> memref<1x1x26x64xf32, #tpu.memory_space<vmem>>
        %dma_start3A_458 = tpu.memref_squeeze %dma_start3A_457 : memref<1x1x26x64xf32, #tpu.memory_space<vmem>> -> memref<26x64xf32, #tpu.memory_space<vmem>>
        %dma_start3A_459 = tpu.memref_slice %arg5[%mul3A_453] : memref<4096xi32, #tpu.memory_space<vmem>> -> memref<26xi32, #tpu.memory_space<vmem>>
        %dma_start3A_460 = arith.constant 0 : i32
        %dma_start3A_461 = arith.constant 0 : i32
        %dma_start3A_462 = tpu.memref_slice %arg3[%dma_start3A_460, %dma_start3A_461] : memref<100000x64xf32, #tpu.memory_space<hbm>> -> memref<100000x64xf32, #tpu.memory_space<hbm>>
        tpu.enqueue_indirect_dma source(%dma_start3A_462 : memref<100000x64xf32, #tpu.memory_space<hbm>>) target(%dma_start3A_458 : memref<26x64xf32, #tpu.memory_space<vmem>>) offsets(%dma_start3A_459 : memref<26xi32, #tpu.memory_space<vmem>>) semaphore(%arg7 : memref<!tpu.dma_semaphore, #tpu.memory_space<semaphore_mem>>)
        %mul3A_463 = arith.constant 16 : i32
        %mul3A_464 = arith.muli %add3A_432, %mul3A_463 : i32
        %add3A_465 = arith.constant 2 : i32
        %add3A_466 = arith.addi %mul3A_464, %add3A_465 : i32
        %mul3A_467 = arith.constant 32 : i32
        %mul3A_468 = arith.muli %add3A_466, %mul3A_467 : i32
        %dma_start3A_469 = arith.constant 2 : i32
        %dma_start3A_470 = arith.constant 0 : i32
        %dma_start3A_471 = arith.constant 0 : i32
        %dma_start3A_472 = tpu.memref_slice %arg6[%rem3A_225, %dma_start3A_469, %dma_start3A_470, %dma_start3A_471] : memref<2x16x26x64xf32, #tpu.memory_space<vmem>> -> memref<1x1x26x64xf32, #tpu.memory_space<vmem>>
        %dma_start3A_473 = tpu.memref_squeeze %dma_start3A_472 : memref<1x1x26x64xf32, #tpu.memory_space<vmem>> -> memref<26x64xf32, #tpu.memory_space<vmem>>
        %dma_start3A_474 = tpu.memref_slice %arg5[%mul3A_468] : memref<4096xi32, #tpu.memory_space<vmem>> -> memref<26xi32, #tpu.memory_space<vmem>>
        %dma_start3A_475 = arith.constant 0 : i32
        %dma_start3A_476 = arith.constant 0 : i32
        %dma_start3A_477 = tpu.memref_slice %arg3[%dma_start3A_475, %dma_start3A_476] : memref<100000x64xf32, #tpu.memory_space<hbm>> -> memref<100000x64xf32, #tpu.memory_space<hbm>>
        tpu.enqueue_indirect_dma source(%dma_start3A_477 : memref<100000x64xf32, #tpu.memory_space<hbm>>) target(%dma_start3A_473 : memref<26x64xf32, #tpu.memory_space<vmem>>) offsets(%dma_start3A_474 : memref<26xi32, #tpu.memory_space<vmem>>) semaphore(%arg7 : memref<!tpu.dma_semaphore, #tpu.memory_space<semaphore_mem>>)
        %mul3A_478 = arith.constant 16 : i32
        %mul3A_479 = arith.muli %add3A_432, %mul3A_478 : i32
        %add3A_480 = arith.constant 3 : i32
        %add3A_481 = arith.addi %mul3A_479, %add3A_480 : i32
        %mul3A_482 = arith.constant 32 : i32
        %mul3A_483 = arith.muli %add3A_481, %mul3A_482 : i32
        %dma_start3A_484 = arith.constant 3 : i32
        %dma_start3A_485 = arith.constant 0 : i32
        %dma_start3A_486 = arith.constant 0 : i32
        %dma_start3A_487 = tpu.memref_slice %arg6[%rem3A_225, %dma_start3A_484, %dma_start3A_485, %dma_start3A_486] : memref<2x16x26x64xf32, #tpu.memory_space<vmem>> -> memref<1x1x26x64xf32, #tpu.memory_space<vmem>>
        %dma_start3A_488 = tpu.memref_squeeze %dma_start3A_487 : memref<1x1x26x64xf32, #tpu.memory_space<vmem>> -> memref<26x64xf32, #tpu.memory_space<vmem>>
        %dma_start3A_489 = tpu.memref_slice %arg5[%mul3A_483] : memref<4096xi32, #tpu.memory_space<vmem>> -> memref<26xi32, #tpu.memory_space<vmem>>
        %dma_start3A_490 = arith.constant 0 : i32
        %dma_start3A_491 = arith.constant 0 : i32
        %dma_start3A_492 = tpu.memref_slice %arg3[%dma_start3A_490, %dma_start3A_491] : memref<100000x64xf32, #tpu.memory_space<hbm>> -> memref<100000x64xf32, #tpu.memory_space<hbm>>
        tpu.enqueue_indirect_dma source(%dma_start3A_492 : memref<100000x64xf32, #tpu.memory_space<hbm>>) target(%dma_start3A_488 : memref<26x64xf32, #tpu.memory_space<vmem>>) offsets(%dma_start3A_489 : memref<26xi32, #tpu.memory_space<vmem>>) semaphore(%arg7 : memref<!tpu.dma_semaphore, #tpu.memory_space<semaphore_mem>>)
        %mul3A_493 = arith.constant 16 : i32
        %mul3A_494 = arith.muli %add3A_432, %mul3A_493 : i32
        %add3A_495 = arith.constant 4 : i32
        %add3A_496 = arith.addi %mul3A_494, %add3A_495 : i32
        %mul3A_497 = arith.constant 32 : i32
        %mul3A_498 = arith.muli %add3A_496, %mul3A_497 : i32
        %dma_start3A_499 = arith.constant 4 : i32
        %dma_start3A_500 = arith.constant 0 : i32
        %dma_start3A_501 = arith.constant 0 : i32
        %dma_start3A_502 = tpu.memref_slice %arg6[%rem3A_225, %dma_start3A_499, %dma_start3A_500, %dma_start3A_501] : memref<2x16x26x64xf32, #tpu.memory_space<vmem>> -> memref<1x1x26x64xf32, #tpu.memory_space<vmem>>
        %dma_start3A_503 = tpu.memref_squeeze %dma_start3A_502 : memref<1x1x26x64xf32, #tpu.memory_space<vmem>> -> memref<26x64xf32, #tpu.memory_space<vmem>>
        %dma_start3A_504 = tpu.memref_slice %arg5[%mul3A_498] : memref<4096xi32, #tpu.memory_space<vmem>> -> memref<26xi32, #tpu.memory_space<vmem>>
        %dma_start3A_505 = arith.constant 0 : i32
        %dma_start3A_506 = arith.constant 0 : i32
        %dma_start3A_507 = tpu.memref_slice %arg3[%dma_start3A_505, %dma_start3A_506] : memref<100000x64xf32, #tpu.memory_space<hbm>> -> memref<100000x64xf32, #tpu.memory_space<hbm>>
        tpu.enqueue_indirect_dma source(%dma_start3A_507 : memref<100000x64xf32, #tpu.memory_space<hbm>>) target(%dma_start3A_503 : memref<26x64xf32, #tpu.memory_space<vmem>>) offsets(%dma_start3A_504 : memref<26xi32, #tpu.memory_space<vmem>>) semaphore(%arg7 : memref<!tpu.dma_semaphore, #tpu.memory_space<semaphore_mem>>)
        %mul3A_508 = arith.constant 16 : i32
        %mul3A_509 = arith.muli %add3A_432, %mul3A_508 : i32
        %add3A_510 = arith.constant 5 : i32
        %add3A_511 = arith.addi %mul3A_509, %add3A_510 : i32
        %mul3A_512 = arith.constant 32 : i32
        %mul3A_513 = arith.muli %add3A_511, %mul3A_512 : i32
        %dma_start3A_514 = arith.constant 5 : i32
        %dma_start3A_515 = arith.constant 0 : i32
        %dma_start3A_516 = arith.constant 0 : i32
        %dma_start3A_517 = tpu.memref_slice %arg6[%rem3A_225, %dma_start3A_514, %dma_start3A_515, %dma_start3A_516] : memref<2x16x26x64xf32, #tpu.memory_space<vmem>> -> memref<1x1x26x64xf32, #tpu.memory_space<vmem>>
        %dma_start3A_518 = tpu.memref_squeeze %dma_start3A_517 : memref<1x1x26x64xf32, #tpu.memory_space<vmem>> -> memref<26x64xf32, #tpu.memory_space<vmem>>
        %dma_start3A_519 = tpu.memref_slice %arg5[%mul3A_513] : memref<4096xi32, #tpu.memory_space<vmem>> -> memref<26xi32, #tpu.memory_space<vmem>>
        %dma_start3A_520 = arith.constant 0 : i32
        %dma_start3A_521 = arith.constant 0 : i32
        %dma_start3A_522 = tpu.memref_slice %arg3[%dma_start3A_520, %dma_start3A_521] : memref<100000x64xf32, #tpu.memory_space<hbm>> -> memref<100000x64xf32, #tpu.memory_space<hbm>>
        tpu.enqueue_indirect_dma source(%dma_start3A_522 : memref<100000x64xf32, #tpu.memory_space<hbm>>) target(%dma_start3A_518 : memref<26x64xf32, #tpu.memory_space<vmem>>) offsets(%dma_start3A_519 : memref<26xi32, #tpu.memory_space<vmem>>) semaphore(%arg7 : memref<!tpu.dma_semaphore, #tpu.memory_space<semaphore_mem>>)
        %mul3A_523 = arith.constant 16 : i32
        %mul3A_524 = arith.muli %add3A_432, %mul3A_523 : i32
        %add3A_525 = arith.constant 6 : i32
        %add3A_526 = arith.addi %mul3A_524, %add3A_525 : i32
        %mul3A_527 = arith.constant 32 : i32
        %mul3A_528 = arith.muli %add3A_526, %mul3A_527 : i32
        %dma_start3A_529 = arith.constant 6 : i32
        %dma_start3A_530 = arith.constant 0 : i32
        %dma_start3A_531 = arith.constant 0 : i32
        %dma_start3A_532 = tpu.memref_slice %arg6[%rem3A_225, %dma_start3A_529, %dma_start3A_530, %dma_start3A_531] : memref<2x16x26x64xf32, #tpu.memory_space<vmem>> -> memref<1x1x26x64xf32, #tpu.memory_space<vmem>>
        %dma_start3A_533 = tpu.memref_squeeze %dma_start3A_532 : memref<1x1x26x64xf32, #tpu.memory_space<vmem>> -> memref<26x64xf32, #tpu.memory_space<vmem>>
        %dma_start3A_534 = tpu.memref_slice %arg5[%mul3A_528] : memref<4096xi32, #tpu.memory_space<vmem>> -> memref<26xi32, #tpu.memory_space<vmem>>
        %dma_start3A_535 = arith.constant 0 : i32
        %dma_start3A_536 = arith.constant 0 : i32
        %dma_start3A_537 = tpu.memref_slice %arg3[%dma_start3A_535, %dma_start3A_536] : memref<100000x64xf32, #tpu.memory_space<hbm>> -> memref<100000x64xf32, #tpu.memory_space<hbm>>
        tpu.enqueue_indirect_dma source(%dma_start3A_537 : memref<100000x64xf32, #tpu.memory_space<hbm>>) target(%dma_start3A_533 : memref<26x64xf32, #tpu.memory_space<vmem>>) offsets(%dma_start3A_534 : memref<26xi32, #tpu.memory_space<vmem>>) semaphore(%arg7 : memref<!tpu.dma_semaphore, #tpu.memory_space<semaphore_mem>>)
        %mul3A_538 = arith.constant 16 : i32
        %mul3A_539 = arith.muli %add3A_432, %mul3A_538 : i32
        %add3A_540 = arith.constant 7 : i32
        %add3A_541 = arith.addi %mul3A_539, %add3A_540 : i32
        %mul3A_542 = arith.constant 32 : i32
        %mul3A_543 = arith.muli %add3A_541, %mul3A_542 : i32
        %dma_start3A_544 = arith.constant 7 : i32
        %dma_start3A_545 = arith.constant 0 : i32
        %dma_start3A_546 = arith.constant 0 : i32
        %dma_start3A_547 = tpu.memref_slice %arg6[%rem3A_225, %dma_start3A_544, %dma_start3A_545, %dma_start3A_546] : memref<2x16x26x64xf32, #tpu.memory_space<vmem>> -> memref<1x1x26x64xf32, #tpu.memory_space<vmem>>
        %dma_start3A_548 = tpu.memref_squeeze %dma_start3A_547 : memref<1x1x26x64xf32, #tpu.memory_space<vmem>> -> memref<26x64xf32, #tpu.memory_space<vmem>>
        %dma_start3A_549 = tpu.memref_slice %arg5[%mul3A_543] : memref<4096xi32, #tpu.memory_space<vmem>> -> memref<26xi32, #tpu.memory_space<vmem>>
        %dma_start3A_550 = arith.constant 0 : i32
        %dma_start3A_551 = arith.constant 0 : i32
        %dma_start3A_552 = tpu.memref_slice %arg3[%dma_start3A_550, %dma_start3A_551] : memref<100000x64xf32, #tpu.memory_space<hbm>> -> memref<100000x64xf32, #tpu.memory_space<hbm>>
        tpu.enqueue_indirect_dma source(%dma_start3A_552 : memref<100000x64xf32, #tpu.memory_space<hbm>>) target(%dma_start3A_548 : memref<26x64xf32, #tpu.memory_space<vmem>>) offsets(%dma_start3A_549 : memref<26xi32, #tpu.memory_space<vmem>>) semaphore(%arg7 : memref<!tpu.dma_semaphore, #tpu.memory_space<semaphore_mem>>)
        %mul3A_553 = arith.constant 16 : i32
        %mul3A_554 = arith.muli %add3A_432, %mul3A_553 : i32
        %add3A_555 = arith.constant 8 : i32
        %add3A_556 = arith.addi %mul3A_554, %add3A_555 : i32
        %mul3A_557 = arith.constant 32 : i32
        %mul3A_558 = arith.muli %add3A_556, %mul3A_557 : i32
        %dma_start3A_559 = arith.constant 8 : i32
        %dma_start3A_560 = arith.constant 0 : i32
        %dma_start3A_561 = arith.constant 0 : i32
        %dma_start3A_562 = tpu.memref_slice %arg6[%rem3A_225, %dma_start3A_559, %dma_start3A_560, %dma_start3A_561] : memref<2x16x26x64xf32, #tpu.memory_space<vmem>> -> memref<1x1x26x64xf32, #tpu.memory_space<vmem>>
        %dma_start3A_563 = tpu.memref_squeeze %dma_start3A_562 : memref<1x1x26x64xf32, #tpu.memory_space<vmem>> -> memref<26x64xf32, #tpu.memory_space<vmem>>
        %dma_start3A_564 = tpu.memref_slice %arg5[%mul3A_558] : memref<4096xi32, #tpu.memory_space<vmem>> -> memref<26xi32, #tpu.memory_space<vmem>>
        %dma_start3A_565 = arith.constant 0 : i32
        %dma_start3A_566 = arith.constant 0 : i32
        %dma_start3A_567 = tpu.memref_slice %arg3[%dma_start3A_565, %dma_start3A_566] : memref<100000x64xf32, #tpu.memory_space<hbm>> -> memref<100000x64xf32, #tpu.memory_space<hbm>>
        tpu.enqueue_indirect_dma source(%dma_start3A_567 : memref<100000x64xf32, #tpu.memory_space<hbm>>) target(%dma_start3A_563 : memref<26x64xf32, #tpu.memory_space<vmem>>) offsets(%dma_start3A_564 : memref<26xi32, #tpu.memory_space<vmem>>) semaphore(%arg7 : memref<!tpu.dma_semaphore, #tpu.memory_space<semaphore_mem>>)
        %mul3A_568 = arith.constant 16 : i32
        %mul3A_569 = arith.muli %add3A_432, %mul3A_568 : i32
        %add3A_570 = arith.constant 9 : i32
        %add3A_571 = arith.addi %mul3A_569, %add3A_570 : i32
        %mul3A_572 = arith.constant 32 : i32
        %mul3A_573 = arith.muli %add3A_571, %mul3A_572 : i32
        %dma_start3A_574 = arith.constant 9 : i32
        %dma_start3A_575 = arith.constant 0 : i32
        %dma_start3A_576 = arith.constant 0 : i32
        %dma_start3A_577 = tpu.memref_slice %arg6[%rem3A_225, %dma_start3A_574, %dma_start3A_575, %dma_start3A_576] : memref<2x16x26x64xf32, #tpu.memory_space<vmem>> -> memref<1x1x26x64xf32, #tpu.memory_space<vmem>>
        %dma_start3A_578 = tpu.memref_squeeze %dma_start3A_577 : memref<1x1x26x64xf32, #tpu.memory_space<vmem>> -> memref<26x64xf32, #tpu.memory_space<vmem>>
        %dma_start3A_579 = tpu.memref_slice %arg5[%mul3A_573] : memref<4096xi32, #tpu.memory_space<vmem>> -> memref<26xi32, #tpu.memory_space<vmem>>
        %dma_start3A_580 = arith.constant 0 : i32
        %dma_start3A_581 = arith.constant 0 : i32
        %dma_start3A_582 = tpu.memref_slice %arg3[%dma_start3A_580, %dma_start3A_581] : memref<100000x64xf32, #tpu.memory_space<hbm>> -> memref<100000x64xf32, #tpu.memory_space<hbm>>
        tpu.enqueue_indirect_dma source(%dma_start3A_582 : memref<100000x64xf32, #tpu.memory_space<hbm>>) target(%dma_start3A_578 : memref<26x64xf32, #tpu.memory_space<vmem>>) offsets(%dma_start3A_579 : memref<26xi32, #tpu.memory_space<vmem>>) semaphore(%arg7 : memref<!tpu.dma_semaphore, #tpu.memory_space<semaphore_mem>>)
        %mul3A_583 = arith.constant 16 : i32
        %mul3A_584 = arith.muli %add3A_432, %mul3A_583 : i32
        %add3A_585 = arith.constant 10 : i32
        %add3A_586 = arith.addi %mul3A_584, %add3A_585 : i32
        %mul3A_587 = arith.constant 32 : i32
        %mul3A_588 = arith.muli %add3A_586, %mul3A_587 : i32
        %dma_start3A_589 = arith.constant 10 : i32
        %dma_start3A_590 = arith.constant 0 : i32
        %dma_start3A_591 = arith.constant 0 : i32
        %dma_start3A_592 = tpu.memref_slice %arg6[%rem3A_225, %dma_start3A_589, %dma_start3A_590, %dma_start3A_591] : memref<2x16x26x64xf32, #tpu.memory_space<vmem>> -> memref<1x1x26x64xf32, #tpu.memory_space<vmem>>
        %dma_start3A_593 = tpu.memref_squeeze %dma_start3A_592 : memref<1x1x26x64xf32, #tpu.memory_space<vmem>> -> memref<26x64xf32, #tpu.memory_space<vmem>>
        %dma_start3A_594 = tpu.memref_slice %arg5[%mul3A_588] : memref<4096xi32, #tpu.memory_space<vmem>> -> memref<26xi32, #tpu.memory_space<vmem>>
        %dma_start3A_595 = arith.constant 0 : i32
        %dma_start3A_596 = arith.constant 0 : i32
        %dma_start3A_597 = tpu.memref_slice %arg3[%dma_start3A_595, %dma_start3A_596] : memref<100000x64xf32, #tpu.memory_space<hbm>> -> memref<100000x64xf32, #tpu.memory_space<hbm>>
        tpu.enqueue_indirect_dma source(%dma_start3A_597 : memref<100000x64xf32, #tpu.memory_space<hbm>>) target(%dma_start3A_593 : memref<26x64xf32, #tpu.memory_space<vmem>>) offsets(%dma_start3A_594 : memref<26xi32, #tpu.memory_space<vmem>>) semaphore(%arg7 : memref<!tpu.dma_semaphore, #tpu.memory_space<semaphore_mem>>)
        %mul3A_598 = arith.constant 16 : i32
        %mul3A_599 = arith.muli %add3A_432, %mul3A_598 : i32
        %add3A_600 = arith.constant 11 : i32
        %add3A_601 = arith.addi %mul3A_599, %add3A_600 : i32
        %mul3A_602 = arith.constant 32 : i32
        %mul3A_603 = arith.muli %add3A_601, %mul3A_602 : i32
        %dma_start3A_604 = arith.constant 11 : i32
        %dma_start3A_605 = arith.constant 0 : i32
        %dma_start3A_606 = arith.constant 0 : i32
        %dma_start3A_607 = tpu.memref_slice %arg6[%rem3A_225, %dma_start3A_604, %dma_start3A_605, %dma_start3A_606] : memref<2x16x26x64xf32, #tpu.memory_space<vmem>> -> memref<1x1x26x64xf32, #tpu.memory_space<vmem>>
        %dma_start3A_608 = tpu.memref_squeeze %dma_start3A_607 : memref<1x1x26x64xf32, #tpu.memory_space<vmem>> -> memref<26x64xf32, #tpu.memory_space<vmem>>
        %dma_start3A_609 = tpu.memref_slice %arg5[%mul3A_603] : memref<4096xi32, #tpu.memory_space<vmem>> -> memref<26xi32, #tpu.memory_space<vmem>>
        %dma_start3A_610 = arith.constant 0 : i32
        %dma_start3A_611 = arith.constant 0 : i32
        %dma_start3A_612 = tpu.memref_slice %arg3[%dma_start3A_610, %dma_start3A_611] : memref<100000x64xf32, #tpu.memory_space<hbm>> -> memref<100000x64xf32, #tpu.memory_space<hbm>>
        tpu.enqueue_indirect_dma source(%dma_start3A_612 : memref<100000x64xf32, #tpu.memory_space<hbm>>) target(%dma_start3A_608 : memref<26x64xf32, #tpu.memory_space<vmem>>) offsets(%dma_start3A_609 : memref<26xi32, #tpu.memory_space<vmem>>) semaphore(%arg7 : memref<!tpu.dma_semaphore, #tpu.memory_space<semaphore_mem>>)
        %mul3A_613 = arith.constant 16 : i32
        %mul3A_614 = arith.muli %add3A_432, %mul3A_613 : i32
        %add3A_615 = arith.constant 12 : i32
        %add3A_616 = arith.addi %mul3A_614, %add3A_615 : i32
        %mul3A_617 = arith.constant 32 : i32
        %mul3A_618 = arith.muli %add3A_616, %mul3A_617 : i32
        %dma_start3A_619 = arith.constant 12 : i32
        %dma_start3A_620 = arith.constant 0 : i32
        %dma_start3A_621 = arith.constant 0 : i32
        %dma_start3A_622 = tpu.memref_slice %arg6[%rem3A_225, %dma_start3A_619, %dma_start3A_620, %dma_start3A_621] : memref<2x16x26x64xf32, #tpu.memory_space<vmem>> -> memref<1x1x26x64xf32, #tpu.memory_space<vmem>>
        %dma_start3A_623 = tpu.memref_squeeze %dma_start3A_622 : memref<1x1x26x64xf32, #tpu.memory_space<vmem>> -> memref<26x64xf32, #tpu.memory_space<vmem>>
        %dma_start3A_624 = tpu.memref_slice %arg5[%mul3A_618] : memref<4096xi32, #tpu.memory_space<vmem>> -> memref<26xi32, #tpu.memory_space<vmem>>
        %dma_start3A_625 = arith.constant 0 : i32
        %dma_start3A_626 = arith.constant 0 : i32
        %dma_start3A_627 = tpu.memref_slice %arg3[%dma_start3A_625, %dma_start3A_626] : memref<100000x64xf32, #tpu.memory_space<hbm>> -> memref<100000x64xf32, #tpu.memory_space<hbm>>
        tpu.enqueue_indirect_dma source(%dma_start3A_627 : memref<100000x64xf32, #tpu.memory_space<hbm>>) target(%dma_start3A_623 : memref<26x64xf32, #tpu.memory_space<vmem>>) offsets(%dma_start3A_624 : memref<26xi32, #tpu.memory_space<vmem>>) semaphore(%arg7 : memref<!tpu.dma_semaphore, #tpu.memory_space<semaphore_mem>>)
        %mul3A_628 = arith.constant 16 : i32
        %mul3A_629 = arith.muli %add3A_432, %mul3A_628 : i32
        %add3A_630 = arith.constant 13 : i32
        %add3A_631 = arith.addi %mul3A_629, %add3A_630 : i32
        %mul3A_632 = arith.constant 32 : i32
        %mul3A_633 = arith.muli %add3A_631, %mul3A_632 : i32
        %dma_start3A_634 = arith.constant 13 : i32
        %dma_start3A_635 = arith.constant 0 : i32
        %dma_start3A_636 = arith.constant 0 : i32
        %dma_start3A_637 = tpu.memref_slice %arg6[%rem3A_225, %dma_start3A_634, %dma_start3A_635, %dma_start3A_636] : memref<2x16x26x64xf32, #tpu.memory_space<vmem>> -> memref<1x1x26x64xf32, #tpu.memory_space<vmem>>
        %dma_start3A_638 = tpu.memref_squeeze %dma_start3A_637 : memref<1x1x26x64xf32, #tpu.memory_space<vmem>> -> memref<26x64xf32, #tpu.memory_space<vmem>>
        %dma_start3A_639 = tpu.memref_slice %arg5[%mul3A_633] : memref<4096xi32, #tpu.memory_space<vmem>> -> memref<26xi32, #tpu.memory_space<vmem>>
        %dma_start3A_640 = arith.constant 0 : i32
        %dma_start3A_641 = arith.constant 0 : i32
        %dma_start3A_642 = tpu.memref_slice %arg3[%dma_start3A_640, %dma_start3A_641] : memref<100000x64xf32, #tpu.memory_space<hbm>> -> memref<100000x64xf32, #tpu.memory_space<hbm>>
        tpu.enqueue_indirect_dma source(%dma_start3A_642 : memref<100000x64xf32, #tpu.memory_space<hbm>>) target(%dma_start3A_638 : memref<26x64xf32, #tpu.memory_space<vmem>>) offsets(%dma_start3A_639 : memref<26xi32, #tpu.memory_space<vmem>>) semaphore(%arg7 : memref<!tpu.dma_semaphore, #tpu.memory_space<semaphore_mem>>)
        %mul3A_643 = arith.constant 16 : i32
        %mul3A_644 = arith.muli %add3A_432, %mul3A_643 : i32
        %add3A_645 = arith.constant 14 : i32
        %add3A_646 = arith.addi %mul3A_644, %add3A_645 : i32
        %mul3A_647 = arith.constant 32 : i32
        %mul3A_648 = arith.muli %add3A_646, %mul3A_647 : i32
        %dma_start3A_649 = arith.constant 14 : i32
        %dma_start3A_650 = arith.constant 0 : i32
        %dma_start3A_651 = arith.constant 0 : i32
        %dma_start3A_652 = tpu.memref_slice %arg6[%rem3A_225, %dma_start3A_649, %dma_start3A_650, %dma_start3A_651] : memref<2x16x26x64xf32, #tpu.memory_space<vmem>> -> memref<1x1x26x64xf32, #tpu.memory_space<vmem>>
        %dma_start3A_653 = tpu.memref_squeeze %dma_start3A_652 : memref<1x1x26x64xf32, #tpu.memory_space<vmem>> -> memref<26x64xf32, #tpu.memory_space<vmem>>
        %dma_start3A_654 = tpu.memref_slice %arg5[%mul3A_648] : memref<4096xi32, #tpu.memory_space<vmem>> -> memref<26xi32, #tpu.memory_space<vmem>>
        %dma_start3A_655 = arith.constant 0 : i32
        %dma_start3A_656 = arith.constant 0 : i32
        %dma_start3A_657 = tpu.memref_slice %arg3[%dma_start3A_655, %dma_start3A_656] : memref<100000x64xf32, #tpu.memory_space<hbm>> -> memref<100000x64xf32, #tpu.memory_space<hbm>>
        tpu.enqueue_indirect_dma source(%dma_start3A_657 : memref<100000x64xf32, #tpu.memory_space<hbm>>) target(%dma_start3A_653 : memref<26x64xf32, #tpu.memory_space<vmem>>) offsets(%dma_start3A_654 : memref<26xi32, #tpu.memory_space<vmem>>) semaphore(%arg7 : memref<!tpu.dma_semaphore, #tpu.memory_space<semaphore_mem>>)
        %mul3A_658 = arith.constant 16 : i32
        %mul3A_659 = arith.muli %add3A_432, %mul3A_658 : i32
        %add3A_660 = arith.constant 15 : i32
        %add3A_661 = arith.addi %mul3A_659, %add3A_660 : i32
        %mul3A_662 = arith.constant 32 : i32
        %mul3A_663 = arith.muli %add3A_661, %mul3A_662 : i32
        %dma_start3A_664 = arith.constant 15 : i32
        %dma_start3A_665 = arith.constant 0 : i32
        %dma_start3A_666 = arith.constant 0 : i32
        %dma_start3A_667 = tpu.memref_slice %arg6[%rem3A_225, %dma_start3A_664, %dma_start3A_665, %dma_start3A_666] : memref<2x16x26x64xf32, #tpu.memory_space<vmem>> -> memref<1x1x26x64xf32, #tpu.memory_space<vmem>>
        %dma_start3A_668 = tpu.memref_squeeze %dma_start3A_667 : memref<1x1x26x64xf32, #tpu.memory_space<vmem>> -> memref<26x64xf32, #tpu.memory_space<vmem>>
        %dma_start3A_669 = tpu.memref_slice %arg5[%mul3A_663] : memref<4096xi32, #tpu.memory_space<vmem>> -> memref<26xi32, #tpu.memory_space<vmem>>
        %dma_start3A_670 = arith.constant 0 : i32
        %dma_start3A_671 = arith.constant 0 : i32
        %dma_start3A_672 = tpu.memref_slice %arg3[%dma_start3A_670, %dma_start3A_671] : memref<100000x64xf32, #tpu.memory_space<hbm>> -> memref<100000x64xf32, #tpu.memory_space<hbm>>
        tpu.enqueue_indirect_dma source(%dma_start3A_672 : memref<100000x64xf32, #tpu.memory_space<hbm>>) target(%dma_start3A_668 : memref<26x64xf32, #tpu.memory_space<vmem>>) offsets(%dma_start3A_669 : memref<26xi32, #tpu.memory_space<vmem>>) semaphore(%arg7 : memref<!tpu.dma_semaphore, #tpu.memory_space<semaphore_mem>>)
      } else {
      }
      %dma_wait3A_230 = arith.constant 0 : i32
      %dma_wait3A_231 = arith.constant 0 : i32
      %dma_wait3A_232 = arith.constant 0 : i32
      %dma_wait3A_233 = arith.constant 0 : i32
      %dma_wait3A_234 = tpu.memref_slice %arg6[%dma_wait3A_230, %dma_wait3A_231, %dma_wait3A_232, %dma_wait3A_233] : memref<2x16x26x64xf32, #tpu.memory_space<vmem>> -> memref<1x1x26x64xf32, #tpu.memory_space<vmem>>
      %dma_wait3A_235 = tpu.memref_squeeze %dma_wait3A_234 : memref<1x1x26x64xf32, #tpu.memory_space<vmem>> -> memref<26x64xf32, #tpu.memory_space<vmem>>
      %dma_wait3A_236 = arith.constant 0 : i32
      %dma_wait3A_237 = tpu.memref_slice %arg5[%dma_wait3A_236] : memref<4096xi32, #tpu.memory_space<vmem>> -> memref<26xi32, #tpu.memory_space<vmem>>
      %dma_wait3A_238 = arith.constant 0 : i32
      %dma_wait3A_239 = arith.constant 0 : i32
      %dma_wait3A_240 = tpu.memref_slice %arg3[%dma_wait3A_238, %dma_wait3A_239] : memref<100000x64xf32, #tpu.memory_space<hbm>> -> memref<100000x64xf32, #tpu.memory_space<hbm>>
      tpu.wait_indirect_dma semaphore(%arg7 : memref<!tpu.dma_semaphore, #tpu.memory_space<semaphore_mem>>) src(%dma_wait3A_240 : memref<100000x64xf32, #tpu.memory_space<hbm>>) dst(%dma_wait3A_235 : memref<26x64xf32, #tpu.memory_space<vmem>>)
      %dma_wait3A_241 = arith.constant 0 : i32
      %dma_wait3A_242 = arith.constant 0 : i32
      %dma_wait3A_243 = arith.constant 0 : i32
      %dma_wait3A_244 = arith.constant 0 : i32
      %dma_wait3A_245 = tpu.memref_slice %arg6[%dma_wait3A_241, %dma_wait3A_242, %dma_wait3A_243, %dma_wait3A_244] : memref<2x16x26x64xf32, #tpu.memory_space<vmem>> -> memref<1x1x26x64xf32, #tpu.memory_space<vmem>>
      %dma_wait3A_246 = tpu.memref_squeeze %dma_wait3A_245 : memref<1x1x26x64xf32, #tpu.memory_space<vmem>> -> memref<26x64xf32, #tpu.memory_space<vmem>>
      %dma_wait3A_247 = arith.constant 0 : i32
      %dma_wait3A_248 = tpu.memref_slice %arg5[%dma_wait3A_247] : memref<4096xi32, #tpu.memory_space<vmem>> -> memref<26xi32, #tpu.memory_space<vmem>>
      %dma_wait3A_249 = arith.constant 0 : i32
      %dma_wait3A_250 = arith.constant 0 : i32
      %dma_wait3A_251 = tpu.memref_slice %arg3[%dma_wait3A_249, %dma_wait3A_250] : memref<100000x64xf32, #tpu.memory_space<hbm>> -> memref<100000x64xf32, #tpu.memory_space<hbm>>
      tpu.wait_indirect_dma semaphore(%arg7 : memref<!tpu.dma_semaphore, #tpu.memory_space<semaphore_mem>>) src(%dma_wait3A_251 : memref<100000x64xf32, #tpu.memory_space<hbm>>) dst(%dma_wait3A_246 : memref<26x64xf32, #tpu.memory_space<vmem>>)
      %dma_wait3A_252 = arith.constant 0 : i32
      %dma_wait3A_253 = arith.constant 0 : i32
      %dma_wait3A_254 = arith.constant 0 : i32
      %dma_wait3A_255 = arith.constant 0 : i32
      %dma_wait3A_256 = tpu.memref_slice %arg6[%dma_wait3A_252, %dma_wait3A_253, %dma_wait3A_254, %dma_wait3A_255] : memref<2x16x26x64xf32, #tpu.memory_space<vmem>> -> memref<1x1x26x64xf32, #tpu.memory_space<vmem>>
      %dma_wait3A_257 = tpu.memref_squeeze %dma_wait3A_256 : memref<1x1x26x64xf32, #tpu.memory_space<vmem>> -> memref<26x64xf32, #tpu.memory_space<vmem>>
      %dma_wait3A_258 = arith.constant 0 : i32
      %dma_wait3A_259 = tpu.memref_slice %arg5[%dma_wait3A_258] : memref<4096xi32, #tpu.memory_space<vmem>> -> memref<26xi32, #tpu.memory_space<vmem>>
      %dma_wait3A_260 = arith.constant 0 : i32
      %dma_wait3A_261 = arith.constant 0 : i32
      %dma_wait3A_262 = tpu.memref_slice %arg3[%dma_wait3A_260, %dma_wait3A_261] : memref<100000x64xf32, #tpu.memory_space<hbm>> -> memref<100000x64xf32, #tpu.memory_space<hbm>>
      tpu.wait_indirect_dma semaphore(%arg7 : memref<!tpu.dma_semaphore, #tpu.memory_space<semaphore_mem>>) src(%dma_wait3A_262 : memref<100000x64xf32, #tpu.memory_space<hbm>>) dst(%dma_wait3A_257 : memref<26x64xf32, #tpu.memory_space<vmem>>)
      %dma_wait3A_263 = arith.constant 0 : i32
      %dma_wait3A_264 = arith.constant 0 : i32
      %dma_wait3A_265 = arith.constant 0 : i32
      %dma_wait3A_266 = arith.constant 0 : i32
      %dma_wait3A_267 = tpu.memref_slice %arg6[%dma_wait3A_263, %dma_wait3A_264, %dma_wait3A_265, %dma_wait3A_266] : memref<2x16x26x64xf32, #tpu.memory_space<vmem>> -> memref<1x1x26x64xf32, #tpu.memory_space<vmem>>
      %dma_wait3A_268 = tpu.memref_squeeze %dma_wait3A_267 : memref<1x1x26x64xf32, #tpu.memory_space<vmem>> -> memref<26x64xf32, #tpu.memory_space<vmem>>
      %dma_wait3A_269 = arith.constant 0 : i32
      %dma_wait3A_270 = tpu.memref_slice %arg5[%dma_wait3A_269] : memref<4096xi32, #tpu.memory_space<vmem>> -> memref<26xi32, #tpu.memory_space<vmem>>
      %dma_wait3A_271 = arith.constant 0 : i32
      %dma_wait3A_272 = arith.constant 0 : i32
      %dma_wait3A_273 = tpu.memref_slice %arg3[%dma_wait3A_271, %dma_wait3A_272] : memref<100000x64xf32, #tpu.memory_space<hbm>> -> memref<100000x64xf32, #tpu.memory_space<hbm>>
      tpu.wait_indirect_dma semaphore(%arg7 : memref<!tpu.dma_semaphore, #tpu.memory_space<semaphore_mem>>) src(%dma_wait3A_273 : memref<100000x64xf32, #tpu.memory_space<hbm>>) dst(%dma_wait3A_268 : memref<26x64xf32, #tpu.memory_space<vmem>>)
      %dma_wait3A_274 = arith.constant 0 : i32
      %dma_wait3A_275 = arith.constant 0 : i32
      %dma_wait3A_276 = arith.constant 0 : i32
      %dma_wait3A_277 = arith.constant 0 : i32
      %dma_wait3A_278 = tpu.memref_slice %arg6[%dma_wait3A_274, %dma_wait3A_275, %dma_wait3A_276, %dma_wait3A_277] : memref<2x16x26x64xf32, #tpu.memory_space<vmem>> -> memref<1x1x26x64xf32, #tpu.memory_space<vmem>>
      %dma_wait3A_279 = tpu.memref_squeeze %dma_wait3A_278 : memref<1x1x26x64xf32, #tpu.memory_space<vmem>> -> memref<26x64xf32, #tpu.memory_space<vmem>>
      %dma_wait3A_280 = arith.constant 0 : i32
      %dma_wait3A_281 = tpu.memref_slice %arg5[%dma_wait3A_280] : memref<4096xi32, #tpu.memory_space<vmem>> -> memref<26xi32, #tpu.memory_space<vmem>>
      %dma_wait3A_282 = arith.constant 0 : i32
      %dma_wait3A_283 = arith.constant 0 : i32
      %dma_wait3A_284 = tpu.memref_slice %arg3[%dma_wait3A_282, %dma_wait3A_283] : memref<100000x64xf32, #tpu.memory_space<hbm>> -> memref<100000x64xf32, #tpu.memory_space<hbm>>
      tpu.wait_indirect_dma semaphore(%arg7 : memref<!tpu.dma_semaphore, #tpu.memory_space<semaphore_mem>>) src(%dma_wait3A_284 : memref<100000x64xf32, #tpu.memory_space<hbm>>) dst(%dma_wait3A_279 : memref<26x64xf32, #tpu.memory_space<vmem>>)
      %dma_wait3A_285 = arith.constant 0 : i32
      %dma_wait3A_286 = arith.constant 0 : i32
      %dma_wait3A_287 = arith.constant 0 : i32
      %dma_wait3A_288 = arith.constant 0 : i32
      %dma_wait3A_289 = tpu.memref_slice %arg6[%dma_wait3A_285, %dma_wait3A_286, %dma_wait3A_287, %dma_wait3A_288] : memref<2x16x26x64xf32, #tpu.memory_space<vmem>> -> memref<1x1x26x64xf32, #tpu.memory_space<vmem>>
      %dma_wait3A_290 = tpu.memref_squeeze %dma_wait3A_289 : memref<1x1x26x64xf32, #tpu.memory_space<vmem>> -> memref<26x64xf32, #tpu.memory_space<vmem>>
      %dma_wait3A_291 = arith.constant 0 : i32
      %dma_wait3A_292 = tpu.memref_slice %arg5[%dma_wait3A_291] : memref<4096xi32, #tpu.memory_space<vmem>> -> memref<26xi32, #tpu.memory_space<vmem>>
      %dma_wait3A_293 = arith.constant 0 : i32
      %dma_wait3A_294 = arith.constant 0 : i32
      %dma_wait3A_295 = tpu.memref_slice %arg3[%dma_wait3A_293, %dma_wait3A_294] : memref<100000x64xf32, #tpu.memory_space<hbm>> -> memref<100000x64xf32, #tpu.memory_space<hbm>>
      tpu.wait_indirect_dma semaphore(%arg7 : memref<!tpu.dma_semaphore, #tpu.memory_space<semaphore_mem>>) src(%dma_wait3A_295 : memref<100000x64xf32, #tpu.memory_space<hbm>>) dst(%dma_wait3A_290 : memref<26x64xf32, #tpu.memory_space<vmem>>)
      %dma_wait3A_296 = arith.constant 0 : i32
      %dma_wait3A_297 = arith.constant 0 : i32
      %dma_wait3A_298 = arith.constant 0 : i32
      %dma_wait3A_299 = arith.constant 0 : i32
      %dma_wait3A_300 = tpu.memref_slice %arg6[%dma_wait3A_296, %dma_wait3A_297, %dma_wait3A_298, %dma_wait3A_299] : memref<2x16x26x64xf32, #tpu.memory_space<vmem>> -> memref<1x1x26x64xf32, #tpu.memory_space<vmem>>
      %dma_wait3A_301 = tpu.memref_squeeze %dma_wait3A_300 : memref<1x1x26x64xf32, #tpu.memory_space<vmem>> -> memref<26x64xf32, #tpu.memory_space<vmem>>
      %dma_wait3A_302 = arith.constant 0 : i32
      %dma_wait3A_303 = tpu.memref_slice %arg5[%dma_wait3A_302] : memref<4096xi32, #tpu.memory_space<vmem>> -> memref<26xi32, #tpu.memory_space<vmem>>
      %dma_wait3A_304 = arith.constant 0 : i32
      %dma_wait3A_305 = arith.constant 0 : i32
      %dma_wait3A_306 = tpu.memref_slice %arg3[%dma_wait3A_304, %dma_wait3A_305] : memref<100000x64xf32, #tpu.memory_space<hbm>> -> memref<100000x64xf32, #tpu.memory_space<hbm>>
      tpu.wait_indirect_dma semaphore(%arg7 : memref<!tpu.dma_semaphore, #tpu.memory_space<semaphore_mem>>) src(%dma_wait3A_306 : memref<100000x64xf32, #tpu.memory_space<hbm>>) dst(%dma_wait3A_301 : memref<26x64xf32, #tpu.memory_space<vmem>>)
      %dma_wait3A_307 = arith.constant 0 : i32
      %dma_wait3A_308 = arith.constant 0 : i32
      %dma_wait3A_309 = arith.constant 0 : i32
      %dma_wait3A_310 = arith.constant 0 : i32
      %dma_wait3A_311 = tpu.memref_slice %arg6[%dma_wait3A_307, %dma_wait3A_308, %dma_wait3A_309, %dma_wait3A_310] : memref<2x16x26x64xf32, #tpu.memory_space<vmem>> -> memref<1x1x26x64xf32, #tpu.memory_space<vmem>>
      %dma_wait3A_312 = tpu.memref_squeeze %dma_wait3A_311 : memref<1x1x26x64xf32, #tpu.memory_space<vmem>> -> memref<26x64xf32, #tpu.memory_space<vmem>>
      %dma_wait3A_313 = arith.constant 0 : i32
      %dma_wait3A_314 = tpu.memref_slice %arg5[%dma_wait3A_313] : memref<4096xi32, #tpu.memory_space<vmem>> -> memref<26xi32, #tpu.memory_space<vmem>>
      %dma_wait3A_315 = arith.constant 0 : i32
      %dma_wait3A_316 = arith.constant 0 : i32
      %dma_wait3A_317 = tpu.memref_slice %arg3[%dma_wait3A_315, %dma_wait3A_316] : memref<100000x64xf32, #tpu.memory_space<hbm>> -> memref<100000x64xf32, #tpu.memory_space<hbm>>
      tpu.wait_indirect_dma semaphore(%arg7 : memref<!tpu.dma_semaphore, #tpu.memory_space<semaphore_mem>>) src(%dma_wait3A_317 : memref<100000x64xf32, #tpu.memory_space<hbm>>) dst(%dma_wait3A_312 : memref<26x64xf32, #tpu.memory_space<vmem>>)
      %dma_wait3A_318 = arith.constant 0 : i32
      %dma_wait3A_319 = arith.constant 0 : i32
      %dma_wait3A_320 = arith.constant 0 : i32
      %dma_wait3A_321 = arith.constant 0 : i32
      %dma_wait3A_322 = tpu.memref_slice %arg6[%dma_wait3A_318, %dma_wait3A_319, %dma_wait3A_320, %dma_wait3A_321] : memref<2x16x26x64xf32, #tpu.memory_space<vmem>> -> memref<1x1x26x64xf32, #tpu.memory_space<vmem>>
      %dma_wait3A_323 = tpu.memref_squeeze %dma_wait3A_322 : memref<1x1x26x64xf32, #tpu.memory_space<vmem>> -> memref<26x64xf32, #tpu.memory_space<vmem>>
      %dma_wait3A_324 = arith.constant 0 : i32
      %dma_wait3A_325 = tpu.memref_slice %arg5[%dma_wait3A_324] : memref<4096xi32, #tpu.memory_space<vmem>> -> memref<26xi32, #tpu.memory_space<vmem>>
      %dma_wait3A_326 = arith.constant 0 : i32
      %dma_wait3A_327 = arith.constant 0 : i32
      %dma_wait3A_328 = tpu.memref_slice %arg3[%dma_wait3A_326, %dma_wait3A_327] : memref<100000x64xf32, #tpu.memory_space<hbm>> -> memref<100000x64xf32, #tpu.memory_space<hbm>>
      tpu.wait_indirect_dma semaphore(%arg7 : memref<!tpu.dma_semaphore, #tpu.memory_space<semaphore_mem>>) src(%dma_wait3A_328 : memref<100000x64xf32, #tpu.memory_space<hbm>>) dst(%dma_wait3A_323 : memref<26x64xf32, #tpu.memory_space<vmem>>)
      %dma_wait3A_329 = arith.constant 0 : i32
      %dma_wait3A_330 = arith.constant 0 : i32
      %dma_wait3A_331 = arith.constant 0 : i32
      %dma_wait3A_332 = arith.constant 0 : i32
      %dma_wait3A_333 = tpu.memref_slice %arg6[%dma_wait3A_329, %dma_wait3A_330, %dma_wait3A_331, %dma_wait3A_332] : memref<2x16x26x64xf32, #tpu.memory_space<vmem>> -> memref<1x1x26x64xf32, #tpu.memory_space<vmem>>
      %dma_wait3A_334 = tpu.memref_squeeze %dma_wait3A_333 : memref<1x1x26x64xf32, #tpu.memory_space<vmem>> -> memref<26x64xf32, #tpu.memory_space<vmem>>
      %dma_wait3A_335 = arith.constant 0 : i32
      %dma_wait3A_336 = tpu.memref_slice %arg5[%dma_wait3A_335] : memref<4096xi32, #tpu.memory_space<vmem>> -> memref<26xi32, #tpu.memory_space<vmem>>
      %dma_wait3A_337 = arith.constant 0 : i32
      %dma_wait3A_338 = arith.constant 0 : i32
      %dma_wait3A_339 = tpu.memref_slice %arg3[%dma_wait3A_337, %dma_wait3A_338] : memref<100000x64xf32, #tpu.memory_space<hbm>> -> memref<100000x64xf32, #tpu.memory_space<hbm>>
      tpu.wait_indirect_dma semaphore(%arg7 : memref<!tpu.dma_semaphore, #tpu.memory_space<semaphore_mem>>) src(%dma_wait3A_339 : memref<100000x64xf32, #tpu.memory_space<hbm>>) dst(%dma_wait3A_334 : memref<26x64xf32, #tpu.memory_space<vmem>>)
      %dma_wait3A_340 = arith.constant 0 : i32
      %dma_wait3A_341 = arith.constant 0 : i32
      %dma_wait3A_342 = arith.constant 0 : i32
      %dma_wait3A_343 = arith.constant 0 : i32
      %dma_wait3A_344 = tpu.memref_slice %arg6[%dma_wait3A_340, %dma_wait3A_341, %dma_wait3A_342, %dma_wait3A_343] : memref<2x16x26x64xf32, #tpu.memory_space<vmem>> -> memref<1x1x26x64xf32, #tpu.memory_space<vmem>>
      %dma_wait3A_345 = tpu.memref_squeeze %dma_wait3A_344 : memref<1x1x26x64xf32, #tpu.memory_space<vmem>> -> memref<26x64xf32, #tpu.memory_space<vmem>>
      %dma_wait3A_346 = arith.constant 0 : i32
      %dma_wait3A_347 = tpu.memref_slice %arg5[%dma_wait3A_346] : memref<4096xi32, #tpu.memory_space<vmem>> -> memref<26xi32, #tpu.memory_space<vmem>>
      %dma_wait3A_348 = arith.constant 0 : i32
      %dma_wait3A_349 = arith.constant 0 : i32
      %dma_wait3A_350 = tpu.memref_slice %arg3[%dma_wait3A_348, %dma_wait3A_349] : memref<100000x64xf32, #tpu.memory_space<hbm>> -> memref<100000x64xf32, #tpu.memory_space<hbm>>
      tpu.wait_indirect_dma semaphore(%arg7 : memref<!tpu.dma_semaphore, #tpu.memory_space<semaphore_mem>>) src(%dma_wait3A_350 : memref<100000x64xf32, #tpu.memory_space<hbm>>) dst(%dma_wait3A_345 : memref<26x64xf32, #tpu.memory_space<vmem>>)
      %dma_wait3A_351 = arith.constant 0 : i32
      %dma_wait3A_352 = arith.constant 0 : i32
      %dma_wait3A_353 = arith.constant 0 : i32
      %dma_wait3A_354 = arith.constant 0 : i32
      %dma_wait3A_355 = tpu.memref_slice %arg6[%dma_wait3A_351, %dma_wait3A_352, %dma_wait3A_353, %dma_wait3A_354] : memref<2x16x26x64xf32, #tpu.memory_space<vmem>> -> memref<1x1x26x64xf32, #tpu.memory_space<vmem>>
      %dma_wait3A_356 = tpu.memref_squeeze %dma_wait3A_355 : memref<1x1x26x64xf32, #tpu.memory_space<vmem>> -> memref<26x64xf32, #tpu.memory_space<vmem>>
      %dma_wait3A_357 = arith.constant 0 : i32
      %dma_wait3A_358 = tpu.memref_slice %arg5[%dma_wait3A_357] : memref<4096xi32, #tpu.memory_space<vmem>> -> memref<26xi32, #tpu.memory_space<vmem>>
      %dma_wait3A_359 = arith.constant 0 : i32
      %dma_wait3A_360 = arith.constant 0 : i32
      %dma_wait3A_361 = tpu.memref_slice %arg3[%dma_wait3A_359, %dma_wait3A_360] : memref<100000x64xf32, #tpu.memory_space<hbm>> -> memref<100000x64xf32, #tpu.memory_space<hbm>>
      tpu.wait_indirect_dma semaphore(%arg7 : memref<!tpu.dma_semaphore, #tpu.memory_space<semaphore_mem>>) src(%dma_wait3A_361 : memref<100000x64xf32, #tpu.memory_space<hbm>>) dst(%dma_wait3A_356 : memref<26x64xf32, #tpu.memory_space<vmem>>)
      %dma_wait3A_362 = arith.constant 0 : i32
      %dma_wait3A_363 = arith.constant 0 : i32
      %dma_wait3A_364 = arith.constant 0 : i32
      %dma_wait3A_365 = arith.constant 0 : i32
      %dma_wait3A_366 = tpu.memref_slice %arg6[%dma_wait3A_362, %dma_wait3A_363, %dma_wait3A_364, %dma_wait3A_365] : memref<2x16x26x64xf32, #tpu.memory_space<vmem>> -> memref<1x1x26x64xf32, #tpu.memory_space<vmem>>
      %dma_wait3A_367 = tpu.memref_squeeze %dma_wait3A_366 : memref<1x1x26x64xf32, #tpu.memory_space<vmem>> -> memref<26x64xf32, #tpu.memory_space<vmem>>
      %dma_wait3A_368 = arith.constant 0 : i32
      %dma_wait3A_369 = tpu.memref_slice %arg5[%dma_wait3A_368] : memref<4096xi32, #tpu.memory_space<vmem>> -> memref<26xi32, #tpu.memory_space<vmem>>
      %dma_wait3A_370 = arith.constant 0 : i32
      %dma_wait3A_371 = arith.constant 0 : i32
      %dma_wait3A_372 = tpu.memref_slice %arg3[%dma_wait3A_370, %dma_wait3A_371] : memref<100000x64xf32, #tpu.memory_space<hbm>> -> memref<100000x64xf32, #tpu.memory_space<hbm>>
      tpu.wait_indirect_dma semaphore(%arg7 : memref<!tpu.dma_semaphore, #tpu.memory_space<semaphore_mem>>) src(%dma_wait3A_372 : memref<100000x64xf32, #tpu.memory_space<hbm>>) dst(%dma_wait3A_367 : memref<26x64xf32, #tpu.memory_space<vmem>>)
      %dma_wait3A_373 = arith.constant 0 : i32
      %dma_wait3A_374 = arith.constant 0 : i32
      %dma_wait3A_375 = arith.constant 0 : i32
      %dma_wait3A_376 = arith.constant 0 : i32
      %dma_wait3A_377 = tpu.memref_slice %arg6[%dma_wait3A_373, %dma_wait3A_374, %dma_wait3A_375, %dma_wait3A_376] : memref<2x16x26x64xf32, #tpu.memory_space<vmem>> -> memref<1x1x26x64xf32, #tpu.memory_space<vmem>>
      %dma_wait3A_378 = tpu.memref_squeeze %dma_wait3A_377 : memref<1x1x26x64xf32, #tpu.memory_space<vmem>> -> memref<26x64xf32, #tpu.memory_space<vmem>>
      %dma_wait3A_379 = arith.constant 0 : i32
      %dma_wait3A_380 = tpu.memref_slice %arg5[%dma_wait3A_379] : memref<4096xi32, #tpu.memory_space<vmem>> -> memref<26xi32, #tpu.memory_space<vmem>>
      %dma_wait3A_381 = arith.constant 0 : i32
      %dma_wait3A_382 = arith.constant 0 : i32
      %dma_wait3A_383 = tpu.memref_slice %arg3[%dma_wait3A_381, %dma_wait3A_382] : memref<100000x64xf32, #tpu.memory_space<hbm>> -> memref<100000x64xf32, #tpu.memory_space<hbm>>
      tpu.wait_indirect_dma semaphore(%arg7 : memref<!tpu.dma_semaphore, #tpu.memory_space<semaphore_mem>>) src(%dma_wait3A_383 : memref<100000x64xf32, #tpu.memory_space<hbm>>) dst(%dma_wait3A_378 : memref<26x64xf32, #tpu.memory_space<vmem>>)
      %dma_wait3A_384 = arith.constant 0 : i32
      %dma_wait3A_385 = arith.constant 0 : i32
      %dma_wait3A_386 = arith.constant 0 : i32
      %dma_wait3A_387 = arith.constant 0 : i32
      %dma_wait3A_388 = tpu.memref_slice %arg6[%dma_wait3A_384, %dma_wait3A_385, %dma_wait3A_386, %dma_wait3A_387] : memref<2x16x26x64xf32, #tpu.memory_space<vmem>> -> memref<1x1x26x64xf32, #tpu.memory_space<vmem>>
      %dma_wait3A_389 = tpu.memref_squeeze %dma_wait3A_388 : memref<1x1x26x64xf32, #tpu.memory_space<vmem>> -> memref<26x64xf32, #tpu.memory_space<vmem>>
      %dma_wait3A_390 = arith.constant 0 : i32
      %dma_wait3A_391 = tpu.memref_slice %arg5[%dma_wait3A_390] : memref<4096xi32, #tpu.memory_space<vmem>> -> memref<26xi32, #tpu.memory_space<vmem>>
      %dma_wait3A_392 = arith.constant 0 : i32
      %dma_wait3A_393 = arith.constant 0 : i32
      %dma_wait3A_394 = tpu.memref_slice %arg3[%dma_wait3A_392, %dma_wait3A_393] : memref<100000x64xf32, #tpu.memory_space<hbm>> -> memref<100000x64xf32, #tpu.memory_space<hbm>>
      tpu.wait_indirect_dma semaphore(%arg7 : memref<!tpu.dma_semaphore, #tpu.memory_space<semaphore_mem>>) src(%dma_wait3A_394 : memref<100000x64xf32, #tpu.memory_space<hbm>>) dst(%dma_wait3A_389 : memref<26x64xf32, #tpu.memory_space<vmem>>)
      %dma_wait3A_395 = arith.constant 0 : i32
      %dma_wait3A_396 = arith.constant 0 : i32
      %dma_wait3A_397 = arith.constant 0 : i32
      %dma_wait3A_398 = arith.constant 0 : i32
      %dma_wait3A_399 = tpu.memref_slice %arg6[%dma_wait3A_395, %dma_wait3A_396, %dma_wait3A_397, %dma_wait3A_398] : memref<2x16x26x64xf32, #tpu.memory_space<vmem>> -> memref<1x1x26x64xf32, #tpu.memory_space<vmem>>
      %dma_wait3A_400 = tpu.memref_squeeze %dma_wait3A_399 : memref<1x1x26x64xf32, #tpu.memory_space<vmem>> -> memref<26x64xf32, #tpu.memory_space<vmem>>
      %dma_wait3A_401 = arith.constant 0 : i32
      %dma_wait3A_402 = tpu.memref_slice %arg5[%dma_wait3A_401] : memref<4096xi32, #tpu.memory_space<vmem>> -> memref<26xi32, #tpu.memory_space<vmem>>
      %dma_wait3A_403 = arith.constant 0 : i32
      %dma_wait3A_404 = arith.constant 0 : i32
      %dma_wait3A_405 = tpu.memref_slice %arg3[%dma_wait3A_403, %dma_wait3A_404] : memref<100000x64xf32, #tpu.memory_space<hbm>> -> memref<100000x64xf32, #tpu.memory_space<hbm>>
      tpu.wait_indirect_dma semaphore(%arg7 : memref<!tpu.dma_semaphore, #tpu.memory_space<semaphore_mem>>) src(%dma_wait3A_405 : memref<100000x64xf32, #tpu.memory_space<hbm>>) dst(%dma_wait3A_400 : memref<26x64xf32, #tpu.memory_space<vmem>>)
      %rem3A_406 = arith.constant 2 : i32
      %rem3A_407 = arith.remsi %scan3A_222, %rem3A_406 : i32
      %mul3A_408 = arith.constant 16 : i32
      %mul3A_409 = arith.muli %scan3A_222, %mul3A_408 : i32
      %add3A_410 = arith.addi %mul3A_2, %mul3A_409 : i32
      %dma_start3A_411 = arith.constant 0 : i32
      %dma_start3A_412 = arith.constant 0 : i32
      %dma_start3A_413 = arith.constant 0 : i32
      %dma_start3A_414 = tpu.memref_slice %arg6[%rem3A_407, %dma_start3A_411, %dma_start3A_412, %dma_start3A_413] : memref<2x16x26x64xf32, #tpu.memory_space<vmem>> -> memref<1x16x26x64xf32, #tpu.memory_space<vmem>>
      %dma_start3A_415 = tpu.memref_squeeze %dma_start3A_414 : memref<1x16x26x64xf32, #tpu.memory_space<vmem>> -> memref<16x26x64xf32, #tpu.memory_space<vmem>>
      %dma_start3A_416 = arith.constant 0 : i32
      %dma_start3A_417 = arith.constant 0 : i32
      %dma_start3A_418 = tpu.memref_slice %arg4[%add3A_410, %dma_start3A_416, %dma_start3A_417] : memref<4096x32x128xf32, #tpu.memory_space<hbm>> -> memref<16x26x64xf32, #tpu.memory_space<hbm>>
      %dma_start3A_419 = arith.constant 0 : i32
      %dma_start3A_420 = arith.constant 0 : i32
      %dma_start3A_421 = tpu.memref_slice %arg4[%add3A_410, %dma_start3A_419, %dma_start3A_420] : memref<4096x32x128xf32, #tpu.memory_space<hbm>> -> memref<16x26x64xf32, #tpu.memory_space<hbm>>
      %dma_start3A_422 = arith.constant 0 : i32
      %dma_start3A_423 = arith.constant 0 : i32
      %dma_start3A_424 = arith.constant 0 : i32
      %dma_start3A_425 = tpu.memref_slice %arg6[%rem3A_407, %dma_start3A_422, %dma_start3A_423, %dma_start3A_424] : memref<2x16x26x64xf32, #tpu.memory_space<vmem>> -> memref<1x16x26x64xf32, #tpu.memory_space<vmem>>
      %dma_start3A_426 = tpu.memref_squeeze %dma_start3A_425 : memref<1x16x26x64xf32, #tpu.memory_space<vmem>> -> memref<16x26x64xf32, #tpu.memory_space<vmem>>
      tpu.enqueue_dma source(%dma_start3A_426 : memref<16x26x64xf32, #tpu.memory_space<vmem>>) target(%dma_start3A_421 : memref<16x26x64xf32, #tpu.memory_space<hbm>>) target_semaphore(%arg8 : memref<!tpu.dma_semaphore, #tpu.memory_space<semaphore_mem>>)
    }
    %scan3A_184 = arith.constant 8 : i32
    %dma_wait3A = arith.constant 0 : i32
    %dma_wait3A_185 = arith.constant 0 : i32
    %dma_wait3A_186 = arith.constant 0 : i32
    %dma_wait3A_187 = arith.constant 0 : i32
    %dma_wait3A_188 = tpu.memref_slice %arg6[%dma_wait3A, %dma_wait3A_185, %dma_wait3A_186, %dma_wait3A_187] : memref<2x16x26x64xf32, #tpu.memory_space<vmem>> -> memref<1x16x26x64xf32, #tpu.memory_space<vmem>>
    %dma_wait3A_189 = tpu.memref_squeeze %dma_wait3A_188 : memref<1x16x26x64xf32, #tpu.memory_space<vmem>> -> memref<16x26x64xf32, #tpu.memory_space<vmem>>
    %dma_wait3A_190 = arith.constant 0 : i32
    %dma_wait3A_191 = arith.constant 0 : i32
    %dma_wait3A_192 = arith.constant 0 : i32
    %dma_wait3A_193 = tpu.memref_slice %arg4[%dma_wait3A_190, %dma_wait3A_191, %dma_wait3A_192] : memref<4096x32x128xf32, #tpu.memory_space<hbm>> -> memref<16x26x64xf32, #tpu.memory_space<hbm>>
    %dma_wait3A_194 = arith.constant 0 : i32
    %dma_wait3A_195 = arith.constant 0 : i32
    %dma_wait3A_196 = arith.constant 0 : i32
    %dma_wait3A_197 = tpu.memref_slice %arg4[%dma_wait3A_194, %dma_wait3A_195, %dma_wait3A_196] : memref<4096x32x128xf32, #tpu.memory_space<hbm>> -> memref<16x26x64xf32, #tpu.memory_space<hbm>>
    %dma_wait3A_198 = arith.constant 0 : i32
    %dma_wait3A_199 = arith.constant 0 : i32
    %dma_wait3A_200 = arith.constant 0 : i32
    %dma_wait3A_201 = tpu.memref_slice %arg6[%dma_wait3A, %dma_wait3A_198, %dma_wait3A_199, %dma_wait3A_200] : memref<2x16x26x64xf32, #tpu.memory_space<vmem>> -> memref<1x16x26x64xf32, #tpu.memory_space<vmem>>
    %dma_wait3A_202 = tpu.memref_squeeze %dma_wait3A_201 : memref<1x16x26x64xf32, #tpu.memory_space<vmem>> -> memref<16x26x64xf32, #tpu.memory_space<vmem>>
    tpu.wait_dma2 semaphore(%arg8 : memref<!tpu.dma_semaphore, #tpu.memory_space<semaphore_mem>>) src(%dma_wait3A_202 : memref<16x26x64xf32, #tpu.memory_space<vmem>>) dst(%dma_wait3A_197 : memref<16x26x64xf32, #tpu.memory_space<hbm>>)
    %dma_wait3A_203 = arith.constant 0 : i32
    %dma_wait3A_204 = arith.constant 0 : i32
    %dma_wait3A_205 = arith.constant 0 : i32
    %dma_wait3A_206 = arith.constant 0 : i32
    %dma_wait3A_207 = tpu.memref_slice %arg6[%dma_wait3A_203, %dma_wait3A_204, %dma_wait3A_205, %dma_wait3A_206] : memref<2x16x26x64xf32, #tpu.memory_space<vmem>> -> memref<1x16x26x64xf32, #tpu.memory_space<vmem>>
    %dma_wait3A_208 = tpu.memref_squeeze %dma_wait3A_207 : memref<1x16x26x64xf32, #tpu.memory_space<vmem>> -> memref<16x26x64xf32, #tpu.memory_space<vmem>>
    %dma_wait3A_209 = arith.constant 0 : i32
    %dma_wait3A_210 = arith.constant 0 : i32
    %dma_wait3A_211 = arith.constant 0 : i32
    %dma_wait3A_212 = tpu.memref_slice %arg4[%dma_wait3A_209, %dma_wait3A_210, %dma_wait3A_211] : memref<4096x32x128xf32, #tpu.memory_space<hbm>> -> memref<16x26x64xf32, #tpu.memory_space<hbm>>
    %dma_wait3A_213 = arith.constant 0 : i32
    %dma_wait3A_214 = arith.constant 0 : i32
    %dma_wait3A_215 = arith.constant 0 : i32
    %dma_wait3A_216 = tpu.memref_slice %arg4[%dma_wait3A_213, %dma_wait3A_214, %dma_wait3A_215] : memref<4096x32x128xf32, #tpu.memory_space<hbm>> -> memref<16x26x64xf32, #tpu.memory_space<hbm>>
    %dma_wait3A_217 = arith.constant 0 : i32
    %dma_wait3A_218 = arith.constant 0 : i32
    %dma_wait3A_219 = arith.constant 0 : i32
    %dma_wait3A_220 = tpu.memref_slice %arg6[%dma_wait3A_203, %dma_wait3A_217, %dma_wait3A_218, %dma_wait3A_219] : memref<2x16x26x64xf32, #tpu.memory_space<vmem>> -> memref<1x16x26x64xf32, #tpu.memory_space<vmem>>
    %dma_wait3A_221 = tpu.memref_squeeze %dma_wait3A_220 : memref<1x16x26x64xf32, #tpu.memory_space<vmem>> -> memref<16x26x64xf32, #tpu.memory_space<vmem>>
    tpu.wait_dma2 semaphore(%arg8 : memref<!tpu.dma_semaphore, #tpu.memory_space<semaphore_mem>>) src(%dma_wait3A_221 : memref<16x26x64xf32, #tpu.memory_space<vmem>>) dst(%dma_wait3A_216 : memref<16x26x64xf32, #tpu.memory_space<hbm>>)
    return
  }
}

</mosaic_0001>

<sc_bundles>
// kernel: kernel.3.cloned.1.call-start
scs
__scs_entry_jumppad:
0x0: {  	(pc) =	sbr.rel $0x88, $3  }
0x1: {  	(tag) =	ssettag $0x0;
	lr =	simm.s32 $0x1  }
0x2: {  	[smem:$0x3F9F] =	sst lr;
	_ =	strace $0xD0000000  }
0x3: {  	_ = 	snop  }
0x4: {  	_ = 	snop  }
0x5: {  	_ = 	snop  }
0x6: {  	_ = 	snop  }
0x7: {  	_ = 	snop  }
__scs_overlays_trampoline_lowered:
0x8: {  	[smem:$0x3FAE] =	sst s0  }
0x9: {  	[smem:$0x3FAF] =	sst s1  }
0xa: {  	[smem:$0x3FB0] =	sst s2  }
0xb: {  	[smem:$0x3FB1] =	sst s3  }
0xc: {  	[smem:$0x3FB2] =	sst s4  }
0xd: {  	[smem:$0x3FB3] =	sst s5  }
0xe: {  	[smem:$0x3FB4] =	sst s6  }
0xf: {  	[smem:$0x3FB5] =	sst s7  }
0x10: {  	[smem:$0x3FB6] =	sst s8  }
0x11: {  	[smem:$0x3FB7] =	sst s9;
	s0 =	simm.s32 @!p0 $0x0  }
0x12: {  	s1 =	sld [smem:$0x3F9D];
	s0 =	simm.s32 @p0 $0x1  }
0x13: {  	[smem:$0x3FB8] =	sst s0;
	s0 =	simm.s32 @!p1 $0x0  }
0x14: {  	s2 =	sld [smem:$0x3F9C];
	s0 =	simm.s32 @p1 $0x1  }
0x15: {  	[smem:$0x3FB9] =	sst s0;
	s0 =	simm.s32 @!p2 $0x0  }
0x16: {  	s3 =	sld [smem:$0x3FDB];
	s0 =	simm.s32 @p2 $0x1  }
0x17: {  	s4 =	simm.s32 $0x1BF5;
	[smem:$0x3FBB] =	sst s0  }
0x18: {  	s0 =	sld [smem:$0x3F9E];
	_ =	swait.ge [sflag:s4], $0x0  }
0x19: {  	s7 =	sld [smem:$0x3F9F]  }
0x1a: {  	s8 =	sadd.s32 $0xFFFFE003, lr  }
0x1b: {  	s9 =	sadd.s32 $0xFFFFFEF7, lr;
	s5 =	simm.s32 $0xFFFFFFFF;
	p2 =	slt.u32 s8, $0xFFFFF086  }
0x1c: {  	p1 =	slt.u32 s9, $0xF7A;
	s5 =	simm.s32 @!p2 $0x0  }
0x1d: {  	s5 =	simm.s32 @p1 $0x1;
	p0 =	seq.s32 s7, s2  }
0x1e: {  	s7 =	smul.u32 @!p0 $0xF7A, s2;
	p2 =	seq.s32 @!p0 s5, $0x0  }
0x1f: {  	s9 =	smul.u32 $0xF7A, s1;
	s8 =	simm.s32 @!p0 $0x1BF5;
	p2 =	por !p2, p0  }
0x20: {  	[sflag:s8] =	ssyncset.s32 @!p0 $0xFFFFF086;
	s6 =	sadd.s32 @!p0 s3, s7;
	s7 =	simm.s32 @!p0 $0x108  }
0x21: {  	s3 =	sadd.s32 s3, s9;
	s6 =	sadd.s32 @!p0 $0x88, s6;
	s7 =	simm.s32 @p2 $0x1082  }
0x22: {  	[simem:s7], [sflag:s8] =	dma.local @!p0 [hbm:s6], $0xF7A  }
0x23: {  	s9 =	sor.u32 $0xD0000000, s2;
	s6 =	simm.s32 $0x108;
	_ =	swait.ge @!p0 [sflag:s8], $0x0  }
0x24: {  	s3 =	sadd.s32 $0x88, s3;
	s6 =	simm.s32 @!p1 $0x1082;
	[sflag:s4] =	ssyncset.s32 $0xFFFFF086  }
0x25: {  	[simem:s6], [sflag:s4] =	dma.local [hbm:s3], $0xF7A  }
0x26: {  	[smem:$0x3F9F] =	sst s1;
	(tag) =	ssettag s2;
	_ =	strace s9  }
0x27: {  	s1 =	sld [smem:$0x3FAF]  }
0x28: {  	s2 =	sld [smem:$0x3FB0]  }
0x29: {  	s4 =	sld [smem:$0x3FB2]  }
0x2a: {  	p0 =	seq.s32 s5, $0x0;
	s5 =	sld [smem:$0x3FB3]  }
0x2b: {  	s6 =	sld [smem:$0x3FB4]  }
0x2c: {  	s7 =	sld [smem:$0x3FB5]  }
0x2d: {  	s3 =	simm.s32 $0x108;
	s8 =	sld [smem:$0x3FB6]  }
0x2e: {  	s3 =	simm.s32 @!p0 $0x1082;
	s9 =	sld [smem:$0x3FB7]  }
0x2f: {  	lr =	sadd.s32 s0, s3;
	s0 =	sld [smem:$0x3FAE]  }
0x30: {  	s3 =	sld [smem:$0x3FB1]  }
0x31: {  	[smem:$0x3FBA] =	sst s10  }
0x32: {  	s10 =	sld [smem:$0x3FB8];
	_ =	sdelay $0x3  }
0x33: {  	p0 =	seq.s32 s10, $0x1;
	s10 =	sld [smem:$0x3FBA];
	_ =	sdelay $0x3  }
0x34: {  	[smem:$0x3FBA] =	sst s10  }
0x35: {  	s10 =	sld [smem:$0x3FB9];
	_ =	sdelay $0x3  }
0x36: {  	p1 =	seq.s32 s10, $0x1;
	s10 =	sld [smem:$0x3FBA];
	_ =	sdelay $0x3  }
0x37: {  	[smem:$0x3FBA] =	sst s10  }
0x38: {  	s10 =	sld [smem:$0x3FBB]  }
0x39: {  	_ = 	snop;
	(pc) =	sbr.ind lr, $3  }
0x3a: {  	_ = 	snop  }
0x3b: {  	_ = 	snop  }
0x3c: {  	p2 =	seq.s32 s10, $0x1;
	s10 =	sld [smem:$0x3FBA]  }
0x3d: {  	_ =	shalt  }
0x3e: {  	_ =	shalt  }
0x3f: {  	_ =	shalt  }
0x40: {  	_ =	shalt  }
0x41: {  	_ =	shalt  }
0x42: {  	_ =	shalt  }
0x43: {  	_ =	shalt  }
0x44: {  	_ =	shalt  }
0x45: {  	_ =	shalt  }
0x46: {  	_ =	shalt  }
0x47: {  	_ =	shalt  }
0x48: {  	_ =	shalt  }
0x49: {  	_ =	shalt  }
0x4a: {  	_ =	shalt  }
0x4b: {  	_ =	shalt  }
0x4c: {  	_ =	shalt  }
0x4d: {  	_ =	shalt  }
0x4e: {  	_ =	shalt  }
0x4f: {  	_ =	shalt  }
0x50: {  	_ =	shalt  }
0x51: {  	_ =	shalt  }
0x52: {  	_ =	shalt  }
0x53: {  	_ =	shalt  }
0x54: {  	_ =	shalt  }
0x55: {  	_ =	shalt  }
0x56: {  	_ =	shalt  }
0x57: {  	_ =	shalt  }
0x58: {  	_ =	shalt  }
0x59: {  	_ =	shalt  }
0x5a: {  	_ =	shalt  }
0x5b: {  	_ =	shalt  }
0x5c: {  	_ =	shalt  }
0x5d: {  	_ =	shalt  }
0x5e: {  	_ =	shalt  }
0x5f: {  	_ =	shalt  }
0x60: {  	_ =	shalt  }
0x61: {  	_ =	shalt  }
0x62: {  	_ =	shalt  }
0x63: {  	_ =	shalt  }
0x64: {  	_ =	shalt  }
0x65: {  	_ =	shalt  }
0x66: {  	_ =	shalt  }
0x67: {  	_ =	shalt  }
0x68: {  	_ =	shalt  }
0x69: {  	_ =	shalt  }
0x6a: {  	_ =	shalt  }
0x6b: {  	_ =	shalt  }
0x6c: {  	_ =	shalt  }
0x6d: {  	_ =	shalt  }
0x6e: {  	_ =	shalt  }
0x6f: {  	_ =	shalt  }
0x70: {  	_ =	shalt  }
0x71: {  	_ =	shalt  }
0x72: {  	_ =	shalt  }
0x73: {  	_ =	shalt  }
0x74: {  	_ =	shalt  }
0x75: {  	_ =	shalt  }
0x76: {  	_ =	shalt  }
0x77: {  	_ =	shalt  }
0x78: {  	_ =	shalt  }
0x79: {  	_ =	shalt  }
0x7a: {  	_ =	shalt  }
0x7b: {  	_ =	shalt  }
0x7c: {  	_ =	shalt  }
0x7d: {  	_ =	shalt  }
0x7e: {  	_ =	shalt  }
0x7f: {  	_ =	shalt  }
0x80: {  	_ =	shalt  }
0x81: {  	_ =	shalt  }
0x82: {  	_ =	shalt  }
0x83: {  	_ =	shalt  }
0x84: {  	_ =	shalt  }
0x85: {  	_ =	shalt  }
0x86: {  	_ =	shalt  }
0x87: {  	_ =	shalt  }
.Lfunc_end0:
.L_simem_size_0:
called_computation_lowered:
.L_overlay_start_0:
0x88: {  	s2 =	sld [smem:$0x3FD9]  }
0x89: {  	s3 =	sld [smem:$0x3FFE];
	_ =	sdelay $0x1  }
0x8a: {  	s1 =	srdreg.scid  }
0x8b: {  	s0 =	sand.u32 $0x1, s1  }
0x8c: {  	s17 =	sshll.u32 s0, $0xA;
	s2 =	sadd.s32 s3, s2  }
0x8d: {  	s2 =	sadd.s32 s2, s17  }
0x8e: {  	[smem:$0x3FC6] =	sst s2  }
0x8f: {  	_ = 	snop  }
0x90: {  	s2 =	sld [smem:$0x3FD0];
	(tm) =	ssettm $0x1  }
0x91: {  	s18 =	sld [smem:$0x3FFB];
	_ =	sdelay $0x3  }
0x92: {  	_ =	strace s18  }
0x93: {  	s3 =	sld [smem:$0x3FFC];
	_ =	sdelay $0x3  }
0x94: {  	_ =	strace s3  }
0x95: {  	s3 =	sld [smem:$0x3FFD];
	_ =	sdelay $0x3  }
0x96: {  	_ =	strace s3  }
0x97: {  	_ =	strace $0x8FFFFFFF  }
0x98: {  	s19 =	sld [smem:$0x3FDB];
	_ =	sdelay $0x1  }
0x99: {  	s4 =	simm.s32 $_scs_section_size  }
0x9a: {  	s5 =	simm.s32 $_size__tile_overlayer_lowered;
	s6 =	simm.s32 $_tile_overlayer_lowered  }
0x9b: {  	s22 =	simm.s32 $0x1BFF;
	s21 =	sshll.u32 s6, $0x1;
	s3 =	sadd.s32 s4, s19  }
0x9c: {  	s7 =	simm.s32 $0x0;
	s20 =	sshll.u32 s5, $0x1;
	s5 =	sadd.s32 s21, s3  }
0x9d: {  	[timem:s7], [sflag:s22] =	dma.local [hbm:s5], s20  }
0x9e: {  	_ =	swait.ge [sflag:s22], s20  }
0x9f: {  	s4 =	ssub.s32 $0x0, s20;
	[sflag:s22] =	ssyncset.done $0x0  }
0xa0: {  	[sflag:s22] =	ssyncadd.s32 s4;
	_ =	sdelay $0x1  }
0xa1: {  	s23 =	simm.s32 $0x1B8B  }
0xa2: {  	_ =	swait.ge [sflag:s23], $0x1  }
0xa3: {  	[sflag:s23] =	ssyncset.done $0x0  }
0xa4: {  	s25 =	simm.s32 $0x1B8E;
	s24 =	sld [smem:$0x3FFE];
	[sflag:s23] =	ssyncadd.s32 $0xFFFFFFFF  }
0xa5: {  	s26 =	simm.s32 $execute0_lowered;
	[smem:$0x3FD2] =	sst s25  }
0xa6: {  	s5 =	sshll.u32 s26, $0x1;
	_ =	strace $0x80000046;
	[dreg:$0x1] =	wrdreg $0xFFFFFFFF  }
0xa7: {  	s28 =	simm.s32 $_size_execute0_lowered;
	s3 =	sadd.s32 s3, s5;
	[dreg:$0x0] =	wrdreg $0x0  }
0xa8: {  	s5 =	sshll.u32 s28, $0x1;
	[dreg:$0x2] =	wrdreg s3  }
0xa9: {  	[dreg:$0x3] =	wrdreg s5  }
0xaa: {  	[dreg:$0x4] =	wrdreg $0xC0  }
0xab: {  	_ =	task [dreg:s7], $0x5FFFF  }
0xac: {  	[dreg:$0x1] =	wrdreg $0xFFFFFFFF  }
0xad: {  	[dreg:$0x0] =	wrdreg $0x60  }
0xae: {  	[dreg:$0x2] =	wrdreg s24  }
0xaf: {  	[dreg:$0x3] =	wrdreg s2  }
0xb0: {  	[dreg:$0x4] =	wrdreg $0x9  }
0xb1: {  	_ =	task.clear_ibuf [dreg:s7], $0x5FFFF;
	_ =	strace $0x90000046  }
0xb2: {  	s29 =	simm.s32 $0x9;
	_ =	strace $0x80000048  }
0xb3: {  	_ =	swait.ge [sflag:s29], $0x1  }
0xb4: {  	[sflag:s29] =	ssyncadd.s32 $0xFFFFFFFF  }
0xb5: {  	_ =	strace $0x90000048  }
0xb6: {  	_ =	sfence  }
0xb7: {  	s30 =	sld [smem:$0x0];
	_ =	sdelay $0x2  }
0xb8: {  	s31 =	sshll.u32 s1, $0xD;
	s1 =	sshrl.u32 s1, $0x2  }
0xb9: {  	s3 =	sand.u32 $0x4000, s31;
	s1 =	sadd.s32 s1, s30  }
0xba: {  	s0 =	sor.u32 s3, s0;
	s1 =	sshll.u32 s1, $0x11  }
0xbb: {  	s0 =	sor.u32 s1, s0  }
0xbc: {  	s0 =	sadd.s32 $0x8F2B, s0  }
0xbd: {  	[sflag:s0] =	ssyncadd.remote.s32 $0x1  }
0xbe: {  	_ =	sfence.sel $0xFFFF  }
0xbf: {  	[dreg:$0x0] =	wrdreg $0xFFFFFFFF;
	(pc) =	sbr.abs _section_cstart, $3  }
0xc0: {  	[dreg:$0x1] =	wrdreg $0xFFFFFFFF  }
0xc1: {  	_ =	task.clear_ibuf [dreg:s7], $0x2FFFF;
	_ =	strace $0x9FFFFFFF  }
0xc2: {  	(tm) =	ssettm $0x7FFFFFFF  }
0xc3: {  	_ =	shalt  }
tec
execute0_lowered:
.L_overlay_start_1:
0x0: {  	(tag) =	ssettag $0x1  }
0x1: {  	s0 =	rddreg [dreg:$0x0]  }
0x2: {  	s1 =	rddreg [dreg:$0x1]  }
0x3: {  	s3 =	simm.s32 $0x0;
	s2 =	srdreg.scid;
	s6 =	stileid.u32  }
0x4: {  	s8 =	simm.s32 $0x1A;
	s12 =	simm.s32 $0x40;
	s16 =	simm.s32 $0x80  }
0x5: {  	s30 =	simm.s32 $0x5100;
	s31 =	simm.s32 $0x160;
	s9 =	simm.s32 $0x5E00  }
0x6: {  	s10 =	simm.s32 $0x1A0;
	s11 =	simm.s32 $0x6480;
	s13 =	simm.s32 $0x1C0  }
0x7: {  	s14 =	simm.s32 $0x6B00;
	s15 =	simm.s32 $0x1E0;
	s17 =	simm.s32 $0x7180  }
0x8: {  	s18 =	simm.s32 $0x1;
	s19 =	simm.s32 $0x2;
	s20 =	simm.s32 $0x0  }
0x9: {  	[smem:$0x7FF] =	sst s3;
	s2 =	sand.u32 $0x1, s2;
	s4 =	sshll.u32 s6, $0xA  }
0xa: {  	s28 =	sshll.u32 s6, $0x11;
	_ =	strace $0x80000047;
	s5 =	sshll.u32 s2, $0x9  }
.Ltmp0:
0xb: {  	s29 =	ssub.s32 $0x2, s2;
	s2 =	sshll.u32 s2, $0x10;
	(pc) =	sbr.rel .LBB2_1-.Ltmp0, $4  }
0xc: {  	s4 =	sor.u32 s5, s4;
	s5 =	sadd.s32 s28, s0;
	s7 =	sshrl.u32 s29, $0x1  }
0xd: {  	s0 =	sadd.s32 s4, s0;
	s6 =	ssub.s32 s29, s7;
	s2 =	sadd.s32 s2, s5  }
0xe: {  	s7 =	simm.s32 $0x3;
	s4 =	sadd.s32 $0x400, s0;
	s5 =	smax.u32 s6, $0x1  }
0xf: {  	s23 =	sadd.s32 $0x4400, s2;
	s0 =	simm.s32 $0x5780;
	s2 =	simm.s32 $0x180  }
.LBB2_7:
0x10: {  	s20 =	sadd.s32 $0x1, s20  }
0x11: {  	_ =	swait.ge [sflag:s19], $0x6800;
	p0 =	sne.s32 s20, s5  }
.Ltmp1:
0x12: {  	[sflag:s19] =	ssyncset.done $0x0;
	(pc) =	sbr.rel @!p0 .LBB2_8-.Ltmp1, $4  }
0x13: {  	[sflag:s19] =	ssyncadd.s32 $0xFFFF9800  }
0x14: {  	_ =	swait.ge [sflag:s19], $0x6800  }
0x15: {  	[sflag:s19] =	ssyncset.done $0x0  }
0x16: {  	[sflag:s19] =	ssyncadd.s32 $0xFFFF9800  }
.LBB2_1:
0x17: {  	[tilespmem:s3], [sflag:$0x3] =	stream.linear.gather [hbm4b:s4+s3], $0x1000, $0x38;
	[tilespmem:$0xE000] =	vst v63  }
0x18: {  	_ =	swait.ge [sflag:s7], $0x1000  }
0x19: {  	[sflag:s7] =	ssyncset.done $0x0  }
0x1a: {  	s6 =	simm.s32 $0x1000;
	[sflag:s7] =	ssyncadd.s32 $0xFFFFF000  }
0x1b: {  	[tilespmem:s6], [sflag:$0x1] =	stream.indirect.gather [hbm4b:s1+s8], $0x40, s3, s8, $0xb8;
	[tilespmem:$0xE000] =	vst v63  }
0x1c: {  	s28 =	simm.s32 $0x20;
	s21 =	simm.s32 $0x1680  }
0x1d: {  	[tilespmem:s21], [sflag:$0x1] =	stream.indirect.gather [hbm4b:s1+s8], $0x40, s28, s8, $0xb8;
	[tilespmem:$0xE000] =	vst v63  }
0x1e: {  	s29 =	simm.s32 $0x1D00  }
0x1f: {  	[tilespmem:s29], [sflag:$0x1] =	stream.indirect.gather [hbm4b:s1+s8], $0x40, s12, s8, $0xb8;
	[tilespmem:$0xE000] =	vst v63  }
0x20: {  	s22 =	simm.s32 $0x2380;
	s21 =	simm.s32 $0x60  }
0x21: {  	[tilespmem:s22], [sflag:$0x1] =	stream.indirect.gather [hbm4b:s1+s8], $0x40, s21, s8, $0xb8;
	[tilespmem:$0xE000] =	vst v63  }
0x22: {  	s24 =	simm.s32 $0x2A00  }
0x23: {  	[tilespmem:s24], [sflag:$0x1] =	stream.indirect.gather [hbm4b:s1+s8], $0x40, s16, s8, $0xb8;
	[tilespmem:$0xE000] =	vst v63  }
0x24: {  	s25 =	simm.s32 $0xA0;
	s26 =	simm.s32 $0x3080  }
0x25: {  	[tilespmem:s26], [sflag:$0x1] =	stream.indirect.gather [hbm4b:s1+s8], $0x40, s25, s8, $0xb8;
	[tilespmem:$0xE000] =	vst v63  }
0x26: {  	s28 =	simm.s32 $0xC0;
	s29 =	simm.s32 $0x3700  }
0x27: {  	[tilespmem:s29], [sflag:$0x1] =	stream.indirect.gather [hbm4b:s1+s8], $0x40, s28, s8, $0xb8;
	[tilespmem:$0xE000] =	vst v63  }
0x28: {  	s21 =	simm.s32 $0xE0;
	s22 =	simm.s32 $0x3D80  }
0x29: {  	[tilespmem:s22], [sflag:$0x1] =	stream.indirect.gather [hbm4b:s1+s8], $0x40, s21, s8, $0xb8;
	[tilespmem:$0xE000] =	vst v63  }
0x2a: {  	s24 =	simm.s32 $0x100;
	s25 =	simm.s32 $0x4400  }
0x2b: {  	[tilespmem:s25], [sflag:$0x1] =	stream.indirect.gather [hbm4b:s1+s8], $0x40, s24, s8, $0xb8;
	[tilespmem:$0xE000] =	vst v63  }
0x2c: {  	s26 =	simm.s32 $0x120;
	s28 =	simm.s32 $0x4A80  }
0x2d: {  	[tilespmem:s28], [sflag:$0x1] =	stream.indirect.gather [hbm4b:s1+s8], $0x40, s26, s8, $0xb8;
	[tilespmem:$0xE000] =	vst v63  }
0x2e: {  	s29 =	simm.s32 $0x140  }
0x2f: {  	[tilespmem:s30], [sflag:$0x1] =	stream.indirect.gather [hbm4b:s1+s8], $0x40, s29, s8, $0xb8;
	[tilespmem:$0xE000] =	vst v63  }
0x30: {  	_ = 	snop  }
0x31: {  	[tilespmem:s0], [sflag:$0x1] =	stream.indirect.gather [hbm4b:s1+s8], $0x40, s31, s8, $0xb8;
	[tilespmem:$0xE000] =	vst v63  }
0x32: {  	_ = 	snop  }
0x33: {  	[tilespmem:s9], [sflag:$0x1] =	stream.indirect.gather [hbm4b:s1+s8], $0x40, s2, s8, $0xb8;
	[tilespmem:$0xE000] =	vst v63  }
0x34: {  	_ = 	snop  }
0x35: {  	[tilespmem:s11], [sflag:$0x1] =	stream.indirect.gather [hbm4b:s1+s8], $0x40, s10, s8, $0xb8;
	[tilespmem:$0xE000] =	vst v63  }
.Ltmp2:
0x36: {  	_ = 	snop;
	(pc) =	sbr.rel .LBB2_2-.Ltmp2, $4  }
0x37: {  	_ = 	snop  }
0x38: {  	[tilespmem:s14], [sflag:$0x1] =	stream.indirect.gather [hbm4b:s1+s8], $0x40, s13, s8, $0xb8;
	[tilespmem:$0xE000] =	vst v63  }
0x39: {  	s6 =	smov.u32 s23;
	s21 =	simm.s32 $0x1;
	s22 =	simm.s32 $0x0  }
0x3a: {  	[tilespmem:s17], [sflag:$0x1] =	stream.indirect.gather [hbm4b:s1+s8], $0x40, s15, s8, $0xb8;
	[tilespmem:$0xE000] =	vst v63  }
.LBB2_5:
0x3b: {  	s25 =	sand.u32 $0x1, s21  }
0x3c: {  	p0 =	seq.s32 s25, $0x1;
	s25 =	simm.s32 $0x6800  }
0x3d: {  	s26 =	sshra.s32 s22, $0x2;
	s25 =	simm.s32 @!p0 $0x0  }
0x3e: {  	s29 =	sadd.s32 $0x200, s26;
	s28 =	sor.u32 $0x1000, s25  }
0x3f: {  	[tilespmem:s28], [sflag:$0x1] =	stream.indirect.gather [hbm4b:s1+s8], $0x40, s29, s8, $0xb8;
	[tilespmem:$0xE000] =	vst v63  }
0x40: {  	s28 =	sor.u32 $0x1680, s25;
	s29 =	sadd.s32 $0x220, s26  }
0x41: {  	[tilespmem:s28], [sflag:$0x1] =	stream.indirect.gather [hbm4b:s1+s8], $0x40, s29, s8, $0xb8;
	[tilespmem:$0xE000] =	vst v63  }
0x42: {  	s28 =	sadd.s32 $0x1D00, s25;
	s29 =	sadd.s32 $0x240, s26  }
0x43: {  	[tilespmem:s28], [sflag:$0x1] =	stream.indirect.gather [hbm4b:s1+s8], $0x40, s29, s8, $0xb8;
	[tilespmem:$0xE000] =	vst v63  }
0x44: {  	s28 =	sadd.s32 $0x2380, s25;
	s29 =	sadd.s32 $0x260, s26  }
0x45: {  	[tilespmem:s28], [sflag:$0x1] =	stream.indirect.gather [hbm4b:s1+s8], $0x40, s29, s8, $0xb8;
	[tilespmem:$0xE000] =	vst v63  }
0x46: {  	s28 =	sadd.s32 $0x2A00, s25;
	s29 =	sadd.s32 $0x280, s26  }
0x47: {  	[tilespmem:s28], [sflag:$0x1] =	stream.indirect.gather [hbm4b:s1+s8], $0x40, s29, s8, $0xb8;
	[tilespmem:$0xE000] =	vst v63  }
0x48: {  	s28 =	sadd.s32 $0x3080, s25;
	s29 =	sadd.s32 $0x2A0, s26  }
0x49: {  	[tilespmem:s28], [sflag:$0x1] =	stream.indirect.gather [hbm4b:s1+s8], $0x40, s29, s8, $0xb8;
	[tilespmem:$0xE000] =	vst v63  }
0x4a: {  	s28 =	sadd.s32 $0x3700, s25;
	s29 =	sadd.s32 $0x2C0, s26  }
0x4b: {  	[tilespmem:s28], [sflag:$0x1] =	stream.indirect.gather [hbm4b:s1+s8], $0x40, s29, s8, $0xb8;
	[tilespmem:$0xE000] =	vst v63  }
0x4c: {  	s28 =	sadd.s32 $0x3D80, s25;
	s29 =	sadd.s32 $0x2E0, s26  }
0x4d: {  	[tilespmem:s28], [sflag:$0x1] =	stream.indirect.gather [hbm4b:s1+s8], $0x40, s29, s8, $0xb8;
	[tilespmem:$0xE000] =	vst v63  }
0x4e: {  	s28 =	sadd.s32 $0x4400, s25;
	s29 =	sadd.s32 $0x300, s26  }
0x4f: {  	[tilespmem:s28], [sflag:$0x1] =	stream.indirect.gather [hbm4b:s1+s8], $0x40, s29, s8, $0xb8;
	[tilespmem:$0xE000] =	vst v63  }
0x50: {  	s28 =	sadd.s32 $0x4A80, s25;
	s29 =	sadd.s32 $0x320, s26  }
0x51: {  	[tilespmem:s28], [sflag:$0x1] =	stream.indirect.gather [hbm4b:s1+s8], $0x40, s29, s8, $0xb8;
	[tilespmem:$0xE000] =	vst v63  }
0x52: {  	s28 =	sadd.s32 $0x5100, s25;
	s29 =	sadd.s32 $0x340, s26  }
0x53: {  	[tilespmem:s28], [sflag:$0x1] =	stream.indirect.gather [hbm4b:s1+s8], $0x40, s29, s8, $0xb8;
	[tilespmem:$0xE000] =	vst v63  }
0x54: {  	s28 =	sadd.s32 $0x5780, s25;
	s29 =	sadd.s32 $0x360, s26  }
0x55: {  	[tilespmem:s28], [sflag:$0x1] =	stream.indirect.gather [hbm4b:s1+s8], $0x40, s29, s8, $0xb8;
	[tilespmem:$0xE000] =	vst v63  }
0x56: {  	s28 =	sadd.s32 $0x5E00, s25;
	s29 =	sadd.s32 $0x380, s26  }
0x57: {  	[tilespmem:s28], [sflag:$0x1] =	stream.indirect.gather [hbm4b:s1+s8], $0x40, s29, s8, $0xb8;
	[tilespmem:$0xE000] =	vst v63  }
0x58: {  	s28 =	sadd.s32 $0x6480, s25;
	s29 =	sadd.s32 $0x3A0, s26  }
0x59: {  	[tilespmem:s28], [sflag:$0x1] =	stream.indirect.gather [hbm4b:s1+s8], $0x40, s29, s8, $0xb8;
	[tilespmem:$0xE000] =	vst v63  }
0x5a: {  	s28 =	sadd.s32 $0x6B00, s25;
	s29 =	sadd.s32 $0x3C0, s26  }
0x5b: {  	[tilespmem:s28], [sflag:$0x1] =	stream.indirect.gather [hbm4b:s1+s8], $0x40, s29, s8, $0xb8;
	[tilespmem:$0xE000] =	vst v63  }
0x5c: {  	s25 =	sadd.s32 $0x7180, s25;
	s26 =	sadd.s32 $0x3E0, s26  }
0x5d: {  	[tilespmem:s25], [sflag:$0x1] =	stream.indirect.gather [hbm4b:s1+s8], $0x40, s26, s8, $0xb8;
	[tilespmem:$0xE000] =	vst v63  }
.LBB2_6:
0x5e: {  	_ =	swait.ge [sflag:s18], $0x680  }
0x5f: {  	[sflag:s18] =	ssyncset.done $0x0  }
0x60: {  	[sflag:s18] =	ssyncadd.s32 $0xFFFFF980  }
0x61: {  	_ =	swait.ge [sflag:s18], $0x680  }
0x62: {  	[sflag:s18] =	ssyncset.done $0x0  }
0x63: {  	[sflag:s18] =	ssyncadd.s32 $0xFFFFF980  }
0x64: {  	_ =	swait.ge [sflag:s18], $0x680  }
0x65: {  	[sflag:s18] =	ssyncset.done $0x0  }
0x66: {  	[sflag:s18] =	ssyncadd.s32 $0xFFFFF980  }
0x67: {  	_ =	swait.ge [sflag:s18], $0x680  }
0x68: {  	[sflag:s18] =	ssyncset.done $0x0  }
0x69: {  	[sflag:s18] =	ssyncadd.s32 $0xFFFFF980  }
0x6a: {  	_ =	swait.ge [sflag:s18], $0x680  }
0x6b: {  	[sflag:s18] =	ssyncset.done $0x0  }
0x6c: {  	[sflag:s18] =	ssyncadd.s32 $0xFFFFF980  }
0x6d: {  	_ =	swait.ge [sflag:s18], $0x680  }
0x6e: {  	[sflag:s18] =	ssyncset.done $0x0  }
0x6f: {  	[sflag:s18] =	ssyncadd.s32 $0xFFFFF980  }
0x70: {  	_ =	swait.ge [sflag:s18], $0x680  }
0x71: {  	[sflag:s18] =	ssyncset.done $0x0  }
0x72: {  	[sflag:s18] =	ssyncadd.s32 $0xFFFFF980  }
0x73: {  	_ =	swait.ge [sflag:s18], $0x680  }
0x74: {  	[sflag:s18] =	ssyncset.done $0x0  }
0x75: {  	[sflag:s18] =	ssyncadd.s32 $0xFFFFF980  }
0x76: {  	_ =	swait.ge [sflag:s18], $0x680  }
0x77: {  	[sflag:s18] =	ssyncset.done $0x0  }
0x78: {  	[sflag:s18] =	ssyncadd.s32 $0xFFFFF980  }
0x79: {  	_ =	swait.ge [sflag:s18], $0x680  }
0x7a: {  	[sflag:s18] =	ssyncset.done $0x0  }
0x7b: {  	[sflag:s18] =	ssyncadd.s32 $0xFFFFF980  }
0x7c: {  	_ =	swait.ge [sflag:s18], $0x680  }
0x7d: {  	[sflag:s18] =	ssyncset.done $0x0  }
0x7e: {  	[sflag:s18] =	ssyncadd.s32 $0xFFFFF980  }
0x7f: {  	_ =	swait.ge [sflag:s18], $0x680  }
0x80: {  	[sflag:s18] =	ssyncset.done $0x0  }
0x81: {  	[sflag:s18] =	ssyncadd.s32 $0xFFFFF980  }
0x82: {  	_ =	swait.ge [sflag:s18], $0x680  }
0x83: {  	[sflag:s18] =	ssyncset.done $0x0  }
0x84: {  	[sflag:s18] =	ssyncadd.s32 $0xFFFFF980  }
0x85: {  	_ =	swait.ge [sflag:s18], $0x680  }
0x86: {  	[sflag:s18] =	ssyncset.done $0x0  }
0x87: {  	[sflag:s18] =	ssyncadd.s32 $0xFFFFF980  }
0x88: {  	_ =	swait.ge [sflag:s18], $0x680  }
0x89: {  	[sflag:s18] =	ssyncset.done $0x0  }
0x8a: {  	s24 =	sand.u32 $0x1, s24;
	[sflag:s18] =	ssyncadd.s32 $0xFFFFF980  }
0x8b: {  	p0 =	seq.s32 s24, $0x1;
	s24 =	simm.s32 $0x6800;
	_ =	swait.ge [sflag:s18], $0x680  }
0x8c: {  	s24 =	simm.s32 @!p0 $0x0;
	[sflag:s18] =	ssyncset.done $0x0  }
0x8d: {  	s25 =	sor.u32 $0x1000, s24;
	[sflag:s18] =	ssyncadd.s32 $0xFFFFF980  }
0x8e: {  	[hbm4b:s6+s12] =	stream.strided.scatter [tilespmem:s25], [sflag:$0x2], $0x680, s16, s12, $0x38;
	[tilespmem:$0xE000] =	vst v63  }
0x8f: {  	s26 =	sadd.s32 $0x200, s6;
	s29 =	sor.u32 $0x1680, s24  }
0x90: {  	[hbm4b:s26+s12] =	stream.strided.scatter [tilespmem:s29], [sflag:$0x2], $0x680, s16, s12, $0x38;
	[tilespmem:$0xE000] =	vst v63  }
0x91: {  	s28 =	sadd.s32 $0x1D00, s24;
	s29 =	sadd.s32 $0x400, s6  }
0x92: {  	[hbm4b:s29+s12] =	stream.strided.scatter [tilespmem:s28], [sflag:$0x2], $0x680, s16, s12, $0x38;
	[tilespmem:$0xE000] =	vst v63  }
0x93: {  	s28 =	sadd.s32 $0x2380, s24;
	s29 =	sadd.s32 $0x600, s6  }
0x94: {  	[hbm4b:s29+s12] =	stream.strided.scatter [tilespmem:s28], [sflag:$0x2], $0x680, s16, s12, $0x38;
	[tilespmem:$0xE000] =	vst v63  }
0x95: {  	s28 =	sadd.s32 $0x2A00, s24;
	s29 =	sadd.s32 $0x800, s6  }
0x96: {  	[hbm4b:s29+s12] =	stream.strided.scatter [tilespmem:s28], [sflag:$0x2], $0x680, s16, s12, $0x38;
	[tilespmem:$0xE000] =	vst v63  }
0x97: {  	s28 =	sadd.s32 $0x3080, s24;
	s29 =	sadd.s32 $0xA00, s6  }
0x98: {  	[hbm4b:s29+s12] =	stream.strided.scatter [tilespmem:s28], [sflag:$0x2], $0x680, s16, s12, $0x38;
	[tilespmem:$0xE000] =	vst v63  }
0x99: {  	s28 =	sadd.s32 $0x3700, s24;
	s29 =	sadd.s32 $0xC00, s6  }
0x9a: {  	[hbm4b:s29+s12] =	stream.strided.scatter [tilespmem:s28], [sflag:$0x2], $0x680, s16, s12, $0x38;
	[tilespmem:$0xE000] =	vst v63  }
0x9b: {  	s28 =	sadd.s32 $0x3D80, s24;
	s29 =	sadd.s32 $0xE00, s6  }
0x9c: {  	[hbm4b:s29+s12] =	stream.strided.scatter [tilespmem:s28], [sflag:$0x2], $0x680, s16, s12, $0x38;
	[tilespmem:$0xE000] =	vst v63  }
0x9d: {  	s28 =	sadd.s32 $0x4400, s24;
	s29 =	sadd.s32 $0x1000, s6  }
0x9e: {  	[hbm4b:s29+s12] =	stream.strided.scatter [tilespmem:s28], [sflag:$0x2], $0x680, s16, s12, $0x38;
	[tilespmem:$0xE000] =	vst v63  }
0x9f: {  	s28 =	sadd.s32 $0x4A80, s24;
	s29 =	sadd.s32 $0x1200, s6  }
0xa0: {  	[hbm4b:s29+s12] =	stream.strided.scatter [tilespmem:s28], [sflag:$0x2], $0x680, s16, s12, $0x38;
	[tilespmem:$0xE000] =	vst v63  }
0xa1: {  	s28 =	sadd.s32 $0x5100, s24;
	s29 =	sadd.s32 $0x1400, s6  }
0xa2: {  	[hbm4b:s29+s12] =	stream.strided.scatter [tilespmem:s28], [sflag:$0x2], $0x680, s16, s12, $0x38;
	[tilespmem:$0xE000] =	vst v63  }
0xa3: {  	s28 =	sadd.s32 $0x5780, s24;
	s29 =	sadd.s32 $0x1600, s6  }
0xa4: {  	[hbm4b:s29+s12] =	stream.strided.scatter [tilespmem:s28], [sflag:$0x2], $0x680, s16, s12, $0x38;
	[tilespmem:$0xE000] =	vst v63  }
0xa5: {  	s22 =	sadd.s32 $0x800, s22;
	s28 =	sadd.s32 $0x5E00, s24;
	s29 =	sadd.s32 $0x1800, s6  }
0xa6: {  	[hbm4b:s29+s12] =	stream.strided.scatter [tilespmem:s28], [sflag:$0x2], $0x680, s16, s12, $0x38;
	[tilespmem:$0xE000] =	vst v63  }
0xa7: {  	p0 =	sne.s32 s22, $0x4000;
	s28 =	sadd.s32 $0x6480, s24;
	s29 =	sadd.s32 $0x1A00, s6  }
0xa8: {  	[hbm4b:s29+s12] =	stream.strided.scatter [tilespmem:s28], [sflag:$0x2], $0x680, s16, s12, $0x38;
	[tilespmem:$0xE000] =	vst v63  }
.Ltmp3:
0xa9: {  	_ = 	snop;
	(pc) =	sbr.rel @!p0 .LBB2_7-.Ltmp3, $4  }
0xaa: {  	s21 =	sadd.s32 $0x1, s21;
	s26 =	sadd.s32 $0x6B00, s24;
	s28 =	sadd.s32 $0x1C00, s6  }
0xab: {  	[hbm4b:s28+s12] =	stream.strided.scatter [tilespmem:s26], [sflag:$0x2], $0x680, s16, s12, $0x38;
	[tilespmem:$0xE000] =	vst v63  }
0xac: {  	s24 =	sadd.s32 $0x7180, s24;
	s29 =	sadd.s32 $0x1E00, s6;
	s6 =	sadd.s32 $0x2000, s6  }
0xad: {  	[hbm4b:s29+s12] =	stream.strided.scatter [tilespmem:s24], [sflag:$0x2], $0x680, s16, s12, $0x38;
	[tilespmem:$0xE000] =	vst v63  }
.LBB2_2:
0xae: {  	s24 =	sadd.s32 $0xFFFFFFFF, s21  }
0xaf: {  	p0 =	seq.s32 s24, $0x0  }
.Ltmp4:
0xb0: {  	_ = 	snop;
	(pc) =	sbr.rel @p0 .LBB2_5-.Ltmp4, $1  }
0xb1: {  	_ =	sdelay $0x3  }
0xb2: {  	p0 =	seq.s32 s24, $0x7  }
.Ltmp5:
0xb3: {  	_ = 	snop;
	(pc) =	sbr.rel @p0 .LBB2_6-.Ltmp5, $1  }
0xb4: {  	_ =	sdelay $0x3  }
.Ltmp6:
0xb5: {  	(pc) =	sbr.rel .LBB2_5-.Ltmp6, $4  }
0xb6: {  	_ = 	snop  }
0xb7: {  	_ =	swait.ge [sflag:s19], $0x6800  }
0xb8: {  	[sflag:s19] =	ssyncset.done $0x0  }
0xb9: {  	[sflag:s19] =	ssyncadd.s32 $0xFFFF9800  }
.LBB2_8:
0xba: {  	_ =	sfence.sel $0x180000  }
0xbb: {  	[bflag:$0x0] =	sbarrier.arrive $0xFFFF  }
0xbc: {  	_ =	strace $0x90000047  }
0xbd: {  	s0 =	stileid.u32;
	[bflag:$0x2] =	sbarrier.arrive $0xFFFF  }
0xbe: {  	p0 =	sne.s32 s0, $0x0;
	s0 =	rddreg [dreg:$0x2]  }
0xbf: {  	s0 =	sadd.s32 @!p0 $0x100000, s0  }
0xc0: {  	[sflag:s0] =	ssyncadd.tile.s32 @!p0 $0x1;
	_ =	shalt  }
.Lfunc_end2:
_tile_overlayer_lowered:
.L_overlay_start_2:
0xc1: {  	(tag) =	ssettag $0x2  }
0xc2: {  	s0 =	rddreg [dreg:$0x0];
	s2 =	stileid.u32  }
0xc3: {  	s1 =	rddreg [dreg:$0x1];
	p0 =	sne.s32 s2, $0x0  }
0xc4: {  	s3 =	rddreg [dreg:$0x2];
	[bflag:$0x3] =	sbarrier.arrive $0xFFFF;
	s2 =	simm.s32 @!p0 $0x1C03  }
0xc5: {  	[timem:s3], [sflag:s2] =	dma.local @!p0 [hbm:s0], s1  }
0xc6: {  	s0 =	simm.s32 @!p0 $0x3  }
0xc7: {  	_ =	swait.ge @!p0 [sflag:s0], s1  }
0xc8: {  	s1 =	ssub.s32 @!p0 $0x0, s1;
	[sflag:s0] =	ssyncset.done @!p0 $0x0  }
0xc9: {  	[sflag:s0] =	ssyncadd.s32 @!p0 s1  }
0xca: {  	[bflag:$0x3] =	sbarrier.arrive $0xFFFF  }
0xcb: {  	_ =	shalt  }

</sc_bundles>
